<compile_context>
chip_gen: v7x
topology: tpu7x:2x2x1
jax: 0.10.2.dev20260603
libtpu: 0.0.44.dev20260713+nightly
codegen_flags: <defaults>
</compile_context>

<pallas_src>
import jax
import jax.numpy as jnp
from jax import lax
from jax.experimental import pallas as pl
from jax.experimental.pallas import tpu as pltpu
from jax.experimental.pallas import tpu_sc as plsc

_F32 = jnp.float32
_NC = 2
_NS = 16
_NW = _NC * _NS
_NL = 16
_CHUNK = 128
_NP = 8
_PW = 16


def _dot(a, b):
    return lax.dot_general(a, b, (((1,), (0,)), ((), ())),
                           preferred_element_type=_F32,
                           precision=lax.Precision.HIGHEST)



def _enc_body(x_ref, w1_ref, b1_ref, w2_ref, b2_ref, wr_ref, h8_ref, hr_ref):
    h1 = jnp.maximum(_dot(x_ref[...], w1_ref[...]) + b1_ref[...], 0.0)
    h = jnp.maximum(_dot(h1, w2_ref[...]) + b2_ref[...], 0.0)
    for p in range(_NP):
        h8_ref[p] = h[:, p * _PW:(p + 1) * _PW]
    hr_ref[...] = _dot(h, wr_ref[...])


def _encode(x, w1t, b1, w2t, b2, wrt, blk):
    n, d_in = x.shape
    d_hid = w2t.shape[1]
    full = lambda a: pl.BlockSpec(a.shape, lambda i: (0,) * a.ndim)
    return pl.pallas_call(
        _enc_body,
        grid=(n // blk,),
        in_specs=[pl.BlockSpec((blk, d_in), lambda i: (i, 0)),
                  full(w1t), full(b1), full(w2t), full(b2), full(wrt)],
        out_specs=[pl.BlockSpec((_NP, blk, _PW), lambda i: (0, i, 0)),
                   pl.BlockSpec((blk, d_hid), lambda i: (i, 0))],
        out_shape=[jax.ShapeDtypeStruct((_NP, n, _PW), _F32),
                   jax.ShapeDtypeStruct((n, d_hid), _F32)],
    )(x, w1t, b1, w2t, b2, wrt)


def _mean_linl(s_ref, c_ref, wl_ref):
    inv = 1.0 / jnp.maximum(c_ref[...], 1.0)
    s = s_ref[...]
    acc = None
    for p in range(_NP):
        mean_p = (s[0, p] + s[1, p]) * inv
        part = _dot(mean_p, wl_ref[p * _PW:(p + 1) * _PW, :])
        acc = part if acc is None else acc + part
    return acc


def _comb_mid_body(s_ref, c_ref, hr_ref, wl_ref, bl_ref, wrn_ref,
                   h8_ref, hrn_ref):
    h = jnp.maximum(_mean_linl(s_ref, c_ref, wl_ref) + bl_ref[...]
                    + hr_ref[...], 0.0)
    for p in range(_NP):
        h8_ref[p] = h[:, p * _PW:(p + 1) * _PW]
    hrn_ref[...] = _dot(h, wrn_ref[...])


def _combine_mid(sums, cnt, hr, wlt, bl, wrnt, blk):
    n, d = hr.shape
    full = lambda a: pl.BlockSpec(a.shape, lambda i: (0,) * a.ndim)
    row = lambda w: pl.BlockSpec((blk, w), lambda i: (i, 0))
    sspec = pl.BlockSpec((_NC, _NP, blk, _PW), lambda i: (0, 0, i, 0))
    cspec = pl.BlockSpec((blk, 1), lambda i: (i, 0))
    return pl.pallas_call(
        _comb_mid_body,
        grid=(n // blk,),
        in_specs=[sspec, cspec, row(d), full(wlt), full(bl), full(wrnt)],
        out_specs=[pl.BlockSpec((_NP, blk, _PW), lambda i: (0, i, 0)),
                   row(d)],
        out_shape=[jax.ShapeDtypeStruct((_NP, n, _PW), _F32),
                   jax.ShapeDtypeStruct((n, d), _F32)],
    )(sums, cnt, hr, wlt, bl, wrnt)


def _comb_dec_body(s_ref, c_ref, hr_ref, wl_ref, bl_ref, d1_ref, db1_ref,
                   d2_ref, db2_ref, o_ref):
    h = jnp.maximum(_mean_linl(s_ref, c_ref, wl_ref) + bl_ref[...]
                    + hr_ref[...], 0.0)
    d = jnp.maximum(_dot(h, d1_ref[...]) + db1_ref[...], 0.0)
    o_ref[...] = _dot(d, d2_ref[...]) + db2_ref[...]


def _combine_dec(sums, cnt, hr, wlt, bl, d1t, db1, d2t, db2, blk):
    n, d = hr.shape
    d_out = d2t.shape[1]
    full = lambda a: pl.BlockSpec(a.shape, lambda i: (0,) * a.ndim)
    row = lambda w: pl.BlockSpec((blk, w), lambda i: (i, 0))
    sspec = pl.BlockSpec((_NC, _NP, blk, _PW), lambda i: (0, 0, i, 0))
    cspec = pl.BlockSpec((blk, 1), lambda i: (i, 0))
    return pl.pallas_call(
        _comb_dec_body,
        grid=(n // blk,),
        in_specs=[sspec, cspec, row(d), full(wlt), full(bl), full(d1t),
                  full(db1), full(d2t), full(db2)],
        out_specs=pl.BlockSpec((blk, d_out), lambda i: (i, 0)),
        out_shape=jax.ShapeDtypeStruct((n, d_out), _F32),
    )(sums, cnt, hr, wlt, bl, d1t, db1, d2t, db2)


def _hist_reduce_body(h_ref, o_ref):
    o_ref[...] = jnp.sum(h_ref[...], axis=0)[:, None]


def _hist_reduce(hist):
    nw, n_pad = hist.shape
    return pl.pallas_call(
        _hist_reduce_body,
        grid=(1,),
        in_specs=[pl.BlockSpec((nw, n_pad), lambda i: (0, 0))],
        out_specs=pl.BlockSpec((n_pad, 1), lambda i: (0, 0)),
        out_shape=jax.ShapeDtypeStruct((n_pad, 1), _F32),
    )(hist)



def _make_agg(n_pad, chunks_pw):
    rps = n_pad // _NS
    mesh = plsc.VectorSubcoreMesh(core_axis_name="c", subcore_axis_name="s")
    cparams = pltpu.CompilerParams(use_tc_tiling_on_sc=False,
                                   needs_layout_passes=False)

    @pl.kernel(
        out_type=(jax.ShapeDtypeStruct((_NC, _NP, n_pad, _PW), _F32),
                  jax.ShapeDtypeStruct((_NW, n_pad), _F32)),
        mesh=mesh,
        scratch_types=[
            pltpu.VMEM((chunks_pw, _CHUNK), jnp.int32),
            pltpu.VMEM((chunks_pw, _CHUNK), jnp.int32),
            pltpu.VMEM((_CHUNK, _PW), _F32),
            pltpu.VMEM((n_pad,), _F32),
            pltpu.VMEM_SHARED((n_pad, _PW), _F32),
            pltpu.SemaphoreType.DMA,
        ],
        compiler_params=cparams,
    )
    def k(tb, src_h, dst_h, zs_h, osum, ohist,
          src_v, dst_v, rows_v, hist_v, acc, sem):
        c = lax.axis_index("c")
        s = lax.axis_index("s")
        wid = c * _NS + s
        stripe = pl.ds(s * rps, rps)
        pltpu.sync_copy(dst_h.at[wid], dst_v)

        one_v = jnp.ones((_NL,), _F32)
        zero_v = jnp.zeros((_NL,), _F32)

        @pl.loop(0, n_pad // _NL)
        def _(i):
            hist_v[pl.ds(i * _NL, _NL)] = zero_v

        @pl.loop(0, _NP)
        def _(p):
            pltpu.sync_copy(zs_h, acc.at[stripe])
            pltpu.sync_copy(src_h.at[p].at[wid], src_v)
            plsc.subcore_barrier()

            @pl.loop(0, chunks_pw)
            def _(j):
                pltpu.async_copy(tb.at[src_v.at[j]], rows_v, sem).wait()
                pltpu.sync_copy(rows_v, acc.at[dst_v.at[j]], add=True)

                @pl.when(p == 0)
                def _():
                    for kk in range(_CHUNK // _NL):
                        idx = dst_v[j, pl.ds(kk * _NL, _NL)]
                        plsc.addupdate_scatter(hist_v, [idx], one_v)

            plsc.subcore_barrier()
            pltpu.sync_copy(acc.at[stripe], osum.at[c].at[p].at[stripe])

        pltpu.sync_copy(hist_v, ohist.at[wid])

    return k



def kernel(x, edge_index, enc_W1, enc_b1, enc_W2, enc_b2,
           s1_Wl, s1_bl, s1_Wr, s2_Wl, s2_bl, s2_Wr,
           dec_W1, dec_b1, dec_W2, dec_b2):
    n, _ = x.shape
    e = edge_index.shape[1]

    chunks_pw = -(-e // (_NW * _CHUNK))
    e_pad = chunks_pw * _NW * _CHUNK
    src = edge_index[0].astype(jnp.int32)
    dst = edge_index[1].astype(jnp.int32)
    pad = e_pad - e
    src_p = jnp.concatenate([src, jnp.zeros((pad,), jnp.int32)])
    dst_p = jnp.concatenate([dst, jnp.full((pad,), n, jnp.int32)])
    src_p = src_p.reshape(_NW, chunks_pw, _CHUNK)
    dst_p = dst_p.reshape(_NW, chunks_pw, _CHUNK)
    src_p8 = (src_p[None] +
              (jnp.arange(_NP, dtype=jnp.int32) * n)[:, None, None, None])

    n_pad = ((n + _NS * 8) // (_NS * 8)) * (_NS * 8)
    zsum = jnp.zeros((n_pad // _NS, _PW), _F32)

    blk = 1000
    w1t, w2t = enc_W1.T, enc_W2.T
    wr1t, wr2t = s1_Wr.T, s2_Wr.T
    wl1t, wl2t = s1_Wl.T, s2_Wl.T
    d1t, d2t = dec_W1.T, dec_W2.T

    agg = _make_agg(n_pad, chunks_pw)
    h1_8, h1r = _encode(x, w1t, enc_b1[None], w2t, enc_b2[None], wr1t, blk)
    sums1, hist = agg(h1_8.reshape(_NP * n, _PW), src_p8, dst_p, zsum)
    cnt = _hist_reduce(hist)[:n]
    h2_8, h2r = _combine_mid(sums1[:, :, :n], cnt, h1r, wl1t, s1_bl[None],
                             wr2t, blk)
    sums2, _ = agg(h2_8.reshape(_NP * n, _PW), src_p8, dst_p, zsum)
    out = _combine_dec(sums2[:, :, :n], cnt, h2r, wl2t, s2_bl[None], d1t,
                       dec_b1[None], d2t, dec_b2[None], blk)
    return out

# --- scband reference (transcript-rebuilt; emitter-appended) ---
"""Pipeline reference for scband-corr-nn-56255481643130 (READ-ONLY COPY).

The authoritative reference and input builder live on the scoring server;
editing this copy changes nothing except your own understanding.
"""

import jax, jax.numpy as jnp
import numpy as np

N_NODES = 10000
N_EDGES = 640000
D_IN = 128
D_HID = 128
D_OUT = 128


def _init(key, shape, fan_in):
    bound = 1.0 / np.sqrt(fan_in)
    return jax.random.uniform(key, shape, jnp.float32, -bound, bound)


def setup_inputs(seed: int = 0) -> dict:
    key = jax.random.key(seed)
    ks = [jax.random.fold_in(key, i) for i in range(20)]
    x = jax.random.normal(ks[0], (N_NODES, D_IN), dtype=jnp.float32)
    edge_index = jax.random.randint(ks[1], (2, N_EDGES), 0, N_NODES, dtype=jnp.int64)
    h2 = D_HID // 2
    return {
        'x': x,
        'edge_index': edge_index,
        'enc_W1': _init(ks[2], (h2, D_IN), D_IN), 'enc_b1': _init(ks[3], (h2,), D_IN),
        'enc_W2': _init(ks[4], (D_HID, h2), h2), 'enc_b2': _init(ks[5], (D_HID,), h2),
        's1_Wl': _init(ks[6], (D_HID, D_HID), D_HID), 's1_bl': _init(ks[7], (D_HID,), D_HID),
        's1_Wr': _init(ks[8], (D_HID, D_HID), D_HID),
        's2_Wl': _init(ks[9], (D_HID, D_HID), D_HID), 's2_bl': _init(ks[10], (D_HID,), D_HID),
        's2_Wr': _init(ks[11], (D_HID, D_HID), D_HID),
        'dec_W1': _init(ks[12], (h2, D_HID), D_HID), 'dec_b1': _init(ks[13], (h2,), D_HID),
        'dec_W2': _init(ks[14], (D_OUT, h2), h2), 'dec_b2': _init(ks[15], (D_OUT,), h2),
    }


def _sage_conv(x, src, dst, Wl, bl, Wr):
    # PyG SAGEConv with mean aggregation: lin_l(mean_agg(x_src -> dst)) + lin_r(x)
    msgs = jnp.take(x, src, axis=0)
    summed = jax.ops.segment_sum(msgs, dst, num_segments=N_NODES)
    counts = jax.ops.segment_sum(jnp.ones((msgs.shape[0],), dtype=x.dtype), dst, num_segments=N_NODES)
    mean = summed / jnp.clip(counts, 1.0)[:, None]
    return mean @ Wl.T + bl + x @ Wr.T


def reference(x, edge_index, enc_W1, enc_b1, enc_W2, enc_b2,
              s1_Wl, s1_bl, s1_Wr, s2_Wl, s2_bl, s2_Wr,
              dec_W1, dec_b1, dec_W2, dec_b2):
    src = edge_index[0]
    dst = edge_index[1]
    # encoder
    h = jax.nn.relu(x @ enc_W1.T + enc_b1)
    h = jax.nn.relu(h @ enc_W2.T + enc_b2)
    # corr: SAGEConv -> ReLU -> SAGEConv -> ReLU
    h = jax.nn.relu(_sage_conv(h, src, dst, s1_Wl, s1_bl, s1_Wr))
    h = jax.nn.relu(_sage_conv(h, src, dst, s2_Wl, s2_bl, s2_Wr))
    # decoder
    h = jax.nn.relu(h @ dec_W1.T + dec_b1)
    out = h @ dec_W2.T + dec_b2
    return out

if __name__ == "__main__":
    import jax
    _d = setup_inputs()
    print(jax.jit(kernel)(*tuple(_d.values())))

</pallas_src>

<mosaic_0001>
#map = affine_map<(d0, d1) -> (0, 0)>
#map1 = affine_map<(d0, d1) -> (0, 0, 0, 0)>
#map2 = affine_map<(d0, d1) -> (0, 0, 0)>
module attributes {stable_mosaic.version = 14 : i64} {
  func.func @k(%arg0: i32, %arg1: i32, %arg2: memref<80000x16xf32, #tpu.memory_space<hbm>>, %arg3: memref<8x32x157x128xi32, #tpu.memory_space<hbm>>, %arg4: memref<32x157x128xi32, #tpu.memory_space<hbm>>, %arg5: memref<632x16xf32, #tpu.memory_space<hbm>>, %arg6: memref<2x8x10112x16xf32, #tpu.memory_space<hbm>>, %arg7: memref<32x10112xf32, #tpu.memory_space<hbm>>, %arg8: memref<157x128xi32, #tpu.memory_space<vmem>>, %arg9: memref<157x128xi32, #tpu.memory_space<vmem>>, %arg10: memref<128x16xf32, #tpu.memory_space<vmem>>, %arg11: memref<10112xf32, #tpu.memory_space<vmem>>, %arg12: memref<10112x16xf32, #tpu.memory_space<vmem_shared>>, %arg13: memref<!tpu.dma_semaphore, #tpu.memory_space<semaphore_mem>>) attributes {dimension_semantics = [#tpu.dimension_semantics<core_parallel>, #tpu.dimension_semantics<subcore_parallel>], iteration_bounds = array<i64: 2, 16>, scalar_prefetch = 0 : i64, scratch_operands = 6 : i64, tpu.core_type = #tpu.core_type<sc_vector_subcore>, window_params = [{transform_indices = #map}, {transform_indices = #map1}, {transform_indices = #map2}, {transform_indices = #map}, {transform_indices = #map1}, {transform_indices = #map}]} {
    %mul3A = arith.constant 16 : i32
    %mul3A_0 = arith.muli %arg0, %mul3A : i32
    %add3A = arith.addi %mul3A_0, %arg1 : i32
    %mul3A_1 = arith.constant 632 : i32
    %mul3A_2 = arith.muli %arg1, %mul3A_1 : i32
    "tpu.region"() ({
      %run_scoped3A = tpu.sem_alloc : memref<!tpu.dma_semaphore, #tpu.memory_space<semaphore_mem>>
      %dma_start3A = arith.constant 0 : i32
      %dma_start3A_15 = arith.constant 0 : i32
      %dma_start3A_16 = tpu.memref_slice %arg4[%add3A, %dma_start3A, %dma_start3A_15] : memref<32x157x128xi32, #tpu.memory_space<hbm>> -> memref<1x157x128xi32, #tpu.memory_space<hbm>>
      %dma_start3A_17 = tpu.memref_squeeze %dma_start3A_16 : memref<1x157x128xi32, #tpu.memory_space<hbm>> -> memref<157x128xi32, #tpu.memory_space<hbm>>
      %dma_start3A_18 = arith.constant 0 : i32
      %dma_start3A_19 = arith.constant 0 : i32
      %dma_start3A_20 = tpu.memref_slice %arg4[%add3A, %dma_start3A_18, %dma_start3A_19] : memref<32x157x128xi32, #tpu.memory_space<hbm>> -> memref<1x157x128xi32, #tpu.memory_space<hbm>>
      %dma_start3A_21 = tpu.memref_squeeze %dma_start3A_20 : memref<1x157x128xi32, #tpu.memory_space<hbm>> -> memref<157x128xi32, #tpu.memory_space<hbm>>
      tpu.enqueue_dma source(%dma_start3A_21 : memref<157x128xi32, #tpu.memory_space<hbm>>) target(%arg9 : memref<157x128xi32, #tpu.memory_space<vmem>>) target_semaphore(%run_scoped3A : memref<!tpu.dma_semaphore, #tpu.memory_space<semaphore_mem>>)
      %dma_wait3A = arith.constant 0 : i32
      %dma_wait3A_22 = arith.constant 0 : i32
      %dma_wait3A_23 = tpu.memref_slice %arg4[%add3A, %dma_wait3A, %dma_wait3A_22] : memref<32x157x128xi32, #tpu.memory_space<hbm>> -> memref<1x157x128xi32, #tpu.memory_space<hbm>>
      %dma_wait3A_24 = tpu.memref_squeeze %dma_wait3A_23 : memref<1x157x128xi32, #tpu.memory_space<hbm>> -> memref<157x128xi32, #tpu.memory_space<hbm>>
      %dma_wait3A_25 = arith.constant 0 : i32
      %dma_wait3A_26 = arith.constant 0 : i32
      %dma_wait3A_27 = tpu.memref_slice %arg4[%add3A, %dma_wait3A_25, %dma_wait3A_26] : memref<32x157x128xi32, #tpu.memory_space<hbm>> -> memref<1x157x128xi32, #tpu.memory_space<hbm>>
      %dma_wait3A_28 = tpu.memref_squeeze %dma_wait3A_27 : memref<1x157x128xi32, #tpu.memory_space<hbm>> -> memref<157x128xi32, #tpu.memory_space<hbm>>
      tpu.wait_dma2 semaphore(%run_scoped3A : memref<!tpu.dma_semaphore, #tpu.memory_space<semaphore_mem>>) src(%dma_wait3A_28 : memref<157x128xi32, #tpu.memory_space<hbm>>) dst(%arg9 : memref<157x128xi32, #tpu.memory_space<vmem>>)
      tpu.yield
    }) : () -> ()
    %broadcast_in_dim3A = arith.constant 1.000000e+00 : f32
    %broadcast_in_dim3A_3 = vector.broadcast %broadcast_in_dim3A : f32 to vector<16xf32>
    %broadcast_in_dim3A_4 = arith.constant 0.000000e+00 : f32
    %broadcast_in_dim3A_5 = vector.broadcast %broadcast_in_dim3A_4 : f32 to vector<16xf32>
    %scan3A = arith.constant 0 : i32
    %scan3A_6 = arith.constant 632 : i32
    %scan3A_7 = arith.addi %scan3A, %scan3A_6 : i32
    %scan3A_8 = arith.constant 1 : i32
    scf.for %scan3A_15 = %scan3A to %scan3A_7 step %scan3A_8  : i32 {
      %mul3A_16 = arith.constant 1 : i32
      %mul3A_17 = arith.muli %scan3A_15, %mul3A_16 : i32
      %add3A_18 = arith.constant 0 : i32
      %add3A_19 = arith.addi %add3A_18, %mul3A_17 : i32
      %mul3A_20 = arith.constant 16 : i32
      %mul3A_21 = arith.muli %add3A_19, %mul3A_20 : i32
      %swap3A = arith.index_cast %mul3A_21 : i32 to index
      %swap3A_22 = tpu.vector_load %arg11[%swap3A] {strides = array<i32>} : memref<10112xf32, #tpu.memory_space<vmem>>, vector<16xf32>,
      tpu.vector_store %arg11[%swap3A], %broadcast_in_dim3A_5 {strides = array<i32>} : memref<10112xf32, #tpu.memory_space<vmem>>, vector<16xf32>,
    }
    %scan3A_9 = arith.constant 632 : i32
    %scan3A_10 = arith.constant 0 : i32
    %scan3A_11 = arith.constant 8 : i32
    %scan3A_12 = arith.addi %scan3A_10, %scan3A_11 : i32
    %scan3A_13 = arith.constant 1 : i32
    scf.for %scan3A_15 = %scan3A_10 to %scan3A_12 step %scan3A_13  : i32 {
      %mul3A_16 = arith.constant 1 : i32
      %mul3A_17 = arith.muli %scan3A_15, %mul3A_16 : i32
      %add3A_18 = arith.constant 0 : i32
      %add3A_19 = arith.addi %add3A_18, %mul3A_17 : i32
      "tpu.region"() ({
        %run_scoped3A = tpu.sem_alloc : memref<!tpu.dma_semaphore, #tpu.memory_space<semaphore_mem>>
        %dma_start3A = arith.constant 0 : i32
        %dma_start3A_26 = tpu.memref_slice %arg12[%mul3A_2, %dma_start3A] : memref<10112x16xf32, #tpu.memory_space<vmem_shared>> -> memref<632x16xf32, #tpu.memory_space<vmem_shared>>
        tpu.enqueue_dma source(%arg5 : memref<632x16xf32, #tpu.memory_space<hbm>>) target(%dma_start3A_26 : memref<632x16xf32, #tpu.memory_space<vmem_shared>>) target_semaphore(%run_scoped3A : memref<!tpu.dma_semaphore, #tpu.memory_space<semaphore_mem>>)
        %dma_wait3A = arith.constant 0 : i32
        %dma_wait3A_27 = tpu.memref_slice %arg12[%mul3A_2, %dma_wait3A] : memref<10112x16xf32, #tpu.memory_space<vmem_shared>> -> memref<632x16xf32, #tpu.memory_space<vmem_shared>>
        tpu.wait_dma2 semaphore(%run_scoped3A : memref<!tpu.dma_semaphore, #tpu.memory_space<semaphore_mem>>) src(%arg5 : memref<632x16xf32, #tpu.memory_space<hbm>>) dst(%dma_wait3A_27 : memref<632x16xf32, #tpu.memory_space<vmem_shared>>)
        tpu.yield
      }) : () -> ()
      "tpu.region"() ({
        %run_scoped3A = tpu.sem_alloc : memref<!tpu.dma_semaphore, #tpu.memory_space<semaphore_mem>>
        %dma_start3A = arith.constant 0 : i32
        %dma_start3A_26 = arith.constant 0 : i32
        %dma_start3A_27 = arith.constant 0 : i32
        %dma_start3A_28 = tpu.memref_slice %arg3[%add3A_19, %dma_start3A, %dma_start3A_26, %dma_start3A_27] : memref<8x32x157x128xi32, #tpu.memory_space<hbm>> -> memref<1x32x157x128xi32, #tpu.memory_space<hbm>>
        %dma_start3A_29 = tpu.memref_squeeze %dma_start3A_28 : memref<1x32x157x128xi32, #tpu.memory_space<hbm>> -> memref<32x157x128xi32, #tpu.memory_space<hbm>>
        %dma_start3A_30 = arith.constant 0 : i32
        %dma_start3A_31 = arith.constant 0 : i32
        %dma_start3A_32 = tpu.memref_slice %dma_start3A_29[%add3A, %dma_start3A_30, %dma_start3A_31] : memref<32x157x128xi32, #tpu.memory_space<hbm>> -> memref<1x157x128xi32, #tpu.memory_space<hbm>>
        %dma_start3A_33 = tpu.memref_squeeze %dma_start3A_32 : memref<1x157x128xi32, #tpu.memory_space<hbm>> -> memref<157x128xi32, #tpu.memory_space<hbm>>
        %dma_start3A_34 = arith.constant 0 : i32
        %dma_start3A_35 = arith.constant 0 : i32
        %dma_start3A_36 = arith.constant 0 : i32
        %dma_start3A_37 = tpu.memref_slice %arg3[%add3A_19, %dma_start3A_34, %dma_start3A_35, %dma_start3A_36] : memref<8x32x157x128xi32, #tpu.memory_space<hbm>> -> memref<1x32x157x128xi32, #tpu.memory_space<hbm>>
        %dma_start3A_38 = tpu.memref_squeeze %dma_start3A_37 : memref<1x32x157x128xi32, #tpu.memory_space<hbm>> -> memref<32x157x128xi32, #tpu.memory_space<hbm>>
        %dma_start3A_39 = arith.constant 0 : i32
        %dma_start3A_40 = arith.constant 0 : i32
        %dma_start3A_41 = tpu.memref_slice %dma_start3A_38[%add3A, %dma_start3A_39, %dma_start3A_40] : memref<32x157x128xi32, #tpu.memory_space<hbm>> -> memref<1x157x128xi32, #tpu.memory_space<hbm>>
        %dma_start3A_42 = tpu.memref_squeeze %dma_start3A_41 : memref<1x157x128xi32, #tpu.memory_space<hbm>> -> memref<157x128xi32, #tpu.memory_space<hbm>>
        tpu.enqueue_dma source(%dma_start3A_42 : memref<157x128xi32, #tpu.memory_space<hbm>>) target(%arg8 : memref<157x128xi32, #tpu.memory_space<vmem>>) target_semaphore(%run_scoped3A : memref<!tpu.dma_semaphore, #tpu.memory_space<semaphore_mem>>)
        %dma_wait3A = arith.constant 0 : i32
        %dma_wait3A_43 = arith.constant 0 : i32
        %dma_wait3A_44 = arith.constant 0 : i32
        %dma_wait3A_45 = tpu.memref_slice %arg3[%add3A_19, %dma_wait3A, %dma_wait3A_43, %dma_wait3A_44] : memref<8x32x157x128xi32, #tpu.memory_space<hbm>> -> memref<1x32x157x128xi32, #tpu.memory_space<hbm>>
        %dma_wait3A_46 = tpu.memref_squeeze %dma_wait3A_45 : memref<1x32x157x128xi32, #tpu.memory_space<hbm>> -> memref<32x157x128xi32, #tpu.memory_space<hbm>>
        %dma_wait3A_47 = arith.constant 0 : i32
        %dma_wait3A_48 = arith.constant 0 : i32
        %dma_wait3A_49 = tpu.memref_slice %dma_wait3A_46[%add3A, %dma_wait3A_47, %dma_wait3A_48] : memref<32x157x128xi32, #tpu.memory_space<hbm>> -> memref<1x157x128xi32, #tpu.memory_space<hbm>>
        %dma_wait3A_50 = tpu.memref_squeeze %dma_wait3A_49 : memref<1x157x128xi32, #tpu.memory_space<hbm>> -> memref<157x128xi32, #tpu.memory_space<hbm>>
        %dma_wait3A_51 = arith.constant 0 : i32
        %dma_wait3A_52 = arith.constant 0 : i32
        %dma_wait3A_53 = arith.constant 0 : i32
        %dma_wait3A_54 = tpu.memref_slice %arg3[%add3A_19, %dma_wait3A_51, %dma_wait3A_52, %dma_wait3A_53] : memref<8x32x157x128xi32, #tpu.memory_space<hbm>> -> memref<1x32x157x128xi32, #tpu.memory_space<hbm>>
        %dma_wait3A_55 = tpu.memref_squeeze %dma_wait3A_54 : memref<1x32x157x128xi32, #tpu.memory_space<hbm>> -> memref<32x157x128xi32, #tpu.memory_space<hbm>>
        %dma_wait3A_56 = arith.constant 0 : i32
        %dma_wait3A_57 = arith.constant 0 : i32
        %dma_wait3A_58 = tpu.memref_slice %dma_wait3A_55[%add3A, %dma_wait3A_56, %dma_wait3A_57] : memref<32x157x128xi32, #tpu.memory_space<hbm>> -> memref<1x157x128xi32, #tpu.memory_space<hbm>>
        %dma_wait3A_59 = tpu.memref_squeeze %dma_wait3A_58 : memref<1x157x128xi32, #tpu.memory_space<hbm>> -> memref<157x128xi32, #tpu.memory_space<hbm>>
        tpu.wait_dma2 semaphore(%run_scoped3A : memref<!tpu.dma_semaphore, #tpu.memory_space<semaphore_mem>>) src(%dma_wait3A_59 : memref<157x128xi32, #tpu.memory_space<hbm>>) dst(%arg8 : memref<157x128xi32, #tpu.memory_space<vmem>>)
        tpu.yield
      }) : () -> ()
      %barrier3A = arith.constant 0 : index
      tpu.barrier barrier_id(%barrier3A)
      %scan3A_20 = arith.constant 0 : i32
      %scan3A_21 = arith.constant 157 : i32
      %scan3A_22 = arith.addi %scan3A_20, %scan3A_21 : i32
      %scan3A_23 = arith.constant 1 : i32
      scf.for %scan3A_26 = %scan3A_20 to %scan3A_22 step %scan3A_23  : i32 {
        %mul3A_27 = arith.constant 1 : i32
        %mul3A_28 = arith.muli %scan3A_26, %mul3A_27 : i32
        %add3A_29 = arith.constant 0 : i32
        %add3A_30 = arith.addi %add3A_29, %mul3A_28 : i32
        %dma_start3A = arith.constant 0 : i32
        %dma_start3A_31 = tpu.memref_slice %arg8[%add3A_30, %dma_start3A] : memref<157x128xi32, #tpu.memory_space<vmem>> -> memref<1x128xi32, #tpu.memory_space<vmem>>
        %dma_start3A_32 = tpu.memref_squeeze %dma_start3A_31 : memref<1x128xi32, #tpu.memory_space<vmem>> -> memref<128xi32, #tpu.memory_space<vmem>>
        %dma_start3A_33 = arith.constant 0 : i32
        %dma_start3A_34 = arith.constant 0 : i32
        %dma_start3A_35 = tpu.memref_slice %arg2[%dma_start3A_33, %dma_start3A_34] : memref<80000x16xf32, #tpu.memory_space<hbm>> -> memref<80000x16xf32, #tpu.memory_space<hbm>>
        tpu.enqueue_indirect_dma source(%dma_start3A_35 : memref<80000x16xf32, #tpu.memory_space<hbm>>) target(%arg10 : memref<128x16xf32, #tpu.memory_space<vmem>>) offsets(%dma_start3A_32 : memref<128xi32, #tpu.memory_space<vmem>>) semaphore(%arg13 : memref<!tpu.dma_semaphore, #tpu.memory_space<semaphore_mem>>)
        %dma_wait3A = arith.constant 0 : i32
        %dma_wait3A_36 = tpu.memref_slice %arg8[%add3A_30, %dma_wait3A] : memref<157x128xi32, #tpu.memory_space<vmem>> -> memref<1x128xi32, #tpu.memory_space<vmem>>
        %dma_wait3A_37 = tpu.memref_squeeze %dma_wait3A_36 : memref<1x128xi32, #tpu.memory_space<vmem>> -> memref<128xi32, #tpu.memory_space<vmem>>
        %dma_wait3A_38 = arith.constant 0 : i32
        %dma_wait3A_39 = arith.constant 0 : i32
        %dma_wait3A_40 = tpu.memref_slice %arg2[%dma_wait3A_38, %dma_wait3A_39] : memref<80000x16xf32, #tpu.memory_space<hbm>> -> memref<80000x16xf32, #tpu.memory_space<hbm>>
        tpu.wait_indirect_dma semaphore(%arg13 : memref<!tpu.dma_semaphore, #tpu.memory_space<semaphore_mem>>) src(%dma_wait3A_40 : memref<80000x16xf32, #tpu.memory_space<hbm>>) dst(%arg10 : memref<128x16xf32, #tpu.memory_space<vmem>>)
        "tpu.region"() ({
          %run_scoped3A = tpu.sem_alloc : memref<!tpu.dma_semaphore, #tpu.memory_space<semaphore_mem>>
          %dma_start3A_43 = arith.constant 0 : i32
          %dma_start3A_44 = tpu.memref_slice %arg9[%add3A_30, %dma_start3A_43] : memref<157x128xi32, #tpu.memory_space<vmem>> -> memref<1x128xi32, #tpu.memory_space<vmem>>
          %dma_start3A_45 = tpu.memref_squeeze %dma_start3A_44 : memref<1x128xi32, #tpu.memory_space<vmem>> -> memref<128xi32, #tpu.memory_space<vmem>>
          %dma_start3A_46 = arith.constant 0 : i32
          %dma_start3A_47 = arith.constant 0 : i32
          %dma_start3A_48 = tpu.memref_slice %arg12[%dma_start3A_46, %dma_start3A_47] : memref<10112x16xf32, #tpu.memory_space<vmem_shared>> -> memref<10112x16xf32, #tpu.memory_space<vmem_shared>>
          tpu.enqueue_indirect_dma source(%arg10 : memref<128x16xf32, #tpu.memory_space<vmem>>) target(%dma_start3A_48 : memref<10112x16xf32, #tpu.memory_space<vmem_shared>>) offsets(%dma_start3A_45 : memref<128xi32, #tpu.memory_space<vmem>>) semaphore(%run_scoped3A : memref<!tpu.dma_semaphore, #tpu.memory_space<semaphore_mem>>) {add = true}
          %dma_wait3A_49 = arith.constant 0 : i32
          %dma_wait3A_50 = tpu.memref_slice %arg9[%add3A_30, %dma_wait3A_49] : memref<157x128xi32, #tpu.memory_space<vmem>> -> memref<1x128xi32, #tpu.memory_space<vmem>>
          %dma_wait3A_51 = tpu.memref_squeeze %dma_wait3A_50 : memref<1x128xi32, #tpu.memory_space<vmem>> -> memref<128xi32, #tpu.memory_space<vmem>>
          %dma_wait3A_52 = arith.constant 0 : i32
          %dma_wait3A_53 = arith.constant 0 : i32
          %dma_wait3A_54 = tpu.memref_slice %arg12[%dma_wait3A_52, %dma_wait3A_53] : memref<10112x16xf32, #tpu.memory_space<vmem_shared>> -> memref<10112x16xf32, #tpu.memory_space<vmem_shared>>
          tpu.wait_indirect_dma semaphore(%run_scoped3A : memref<!tpu.dma_semaphore, #tpu.memory_space<semaphore_mem>>) src(%arg10 : memref<128x16xf32, #tpu.memory_space<vmem>>) dst(%dma_wait3A_54 : memref<10112x16xf32, #tpu.memory_space<vmem_shared>>)
          tpu.yield
        }) : () -> ()
        %eq3A = arith.constant 0 : i32
        %eq3A_41 = arith.cmpi eq, %add3A_19, %eq3A : i32
        %convert_element_type3A = arith.extui %eq3A_41 : i1 to i32
        %cond3A = arith.constant 0 : i32
        %cond3A_42 = arith.cmpi ne, %convert_element_type3A, %cond3A : i32
        scf.if %cond3A_42 {
          %get3A = arith.index_cast %add3A_30 : i32 to index
          %get3A_43 = arith.constant 0 : index
          %get3A_44 = tpu.vector_load %arg9[%get3A, %get3A_43] {strides = array<i32>} : memref<157x128xi32, #tpu.memory_space<vmem>>, vector<16xi32>,
          tpu.vector_store_idx %arg11[%get3A_44], %broadcast_in_dim3A_3 {add = true} : memref<10112xf32, #tpu.memory_space<vmem>>[vector<16xi32>], vector<16xf32>,
          %get3A_45 = arith.index_cast %add3A_30 : i32 to index
          %get3A_46 = arith.constant 16 : index
          %get3A_47 = tpu.vector_load %arg9[%get3A_45, %get3A_46] {strides = array<i32>} : memref<157x128xi32, #tpu.memory_space<vmem>>, vector<16xi32>,
          tpu.vector_store_idx %arg11[%get3A_47], %broadcast_in_dim3A_3 {add = true} : memref<10112xf32, #tpu.memory_space<vmem>>[vector<16xi32>], vector<16xf32>,
          %get3A_48 = arith.index_cast %add3A_30 : i32 to index
          %get3A_49 = arith.constant 32 : index
          %get3A_50 = tpu.vector_load %arg9[%get3A_48, %get3A_49] {strides = array<i32>} : memref<157x128xi32, #tpu.memory_space<vmem>>, vector<16xi32>,
          tpu.vector_store_idx %arg11[%get3A_50], %broadcast_in_dim3A_3 {add = true} : memref<10112xf32, #tpu.memory_space<vmem>>[vector<16xi32>], vector<16xf32>,
          %get3A_51 = arith.index_cast %add3A_30 : i32 to index
          %get3A_52 = arith.constant 48 : index
          %get3A_53 = tpu.vector_load %arg9[%get3A_51, %get3A_52] {strides = array<i32>} : memref<157x128xi32, #tpu.memory_space<vmem>>, vector<16xi32>,
          tpu.vector_store_idx %arg11[%get3A_53], %broadcast_in_dim3A_3 {add = true} : memref<10112xf32, #tpu.memory_space<vmem>>[vector<16xi32>], vector<16xf32>,
          %get3A_54 = arith.index_cast %add3A_30 : i32 to index
          %get3A_55 = arith.constant 64 : index
          %get3A_56 = tpu.vector_load %arg9[%get3A_54, %get3A_55] {strides = array<i32>} : memref<157x128xi32, #tpu.memory_space<vmem>>, vector<16xi32>,
          tpu.vector_store_idx %arg11[%get3A_56], %broadcast_in_dim3A_3 {add = true} : memref<10112xf32, #tpu.memory_space<vmem>>[vector<16xi32>], vector<16xf32>,
          %get3A_57 = arith.index_cast %add3A_30 : i32 to index
          %get3A_58 = arith.constant 80 : index
          %get3A_59 = tpu.vector_load %arg9[%get3A_57, %get3A_58] {strides = array<i32>} : memref<157x128xi32, #tpu.memory_space<vmem>>, vector<16xi32>,
          tpu.vector_store_idx %arg11[%get3A_59], %broadcast_in_dim3A_3 {add = true} : memref<10112xf32, #tpu.memory_space<vmem>>[vector<16xi32>], vector<16xf32>,
          %get3A_60 = arith.index_cast %add3A_30 : i32 to index
          %get3A_61 = arith.constant 96 : index
          %get3A_62 = tpu.vector_load %arg9[%get3A_60, %get3A_61] {strides = array<i32>} : memref<157x128xi32, #tpu.memory_space<vmem>>, vector<16xi32>,
          tpu.vector_store_idx %arg11[%get3A_62], %broadcast_in_dim3A_3 {add = true} : memref<10112xf32, #tpu.memory_space<vmem>>[vector<16xi32>], vector<16xf32>,
          %get3A_63 = arith.index_cast %add3A_30 : i32 to index
          %get3A_64 = arith.constant 112 : index
          %get3A_65 = tpu.vector_load %arg9[%get3A_63, %get3A_64] {strides = array<i32>} : memref<157x128xi32, #tpu.memory_space<vmem>>, vector<16xi32>,
          tpu.vector_store_idx %arg11[%get3A_65], %broadcast_in_dim3A_3 {add = true} : memref<10112xf32, #tpu.memory_space<vmem>>[vector<16xi32>], vector<16xf32>,
        } else {
        }
      }
      %scan3A_24 = arith.constant 157 : i32
      %barrier3A_25 = arith.constant 0 : index
      tpu.barrier barrier_id(%barrier3A_25)
      "tpu.region"() ({
        %run_scoped3A = tpu.sem_alloc : memref<!tpu.dma_semaphore, #tpu.memory_space<semaphore_mem>>
        %dma_start3A = arith.constant 0 : i32
        %dma_start3A_26 = arith.constant 0 : i32
        %dma_start3A_27 = arith.constant 0 : i32
        %dma_start3A_28 = tpu.memref_slice %arg6[%arg0, %dma_start3A, %dma_start3A_26, %dma_start3A_27] : memref<2x8x10112x16xf32, #tpu.memory_space<hbm>> -> memref<1x8x10112x16xf32, #tpu.memory_space<hbm>>
        %dma_start3A_29 = tpu.memref_squeeze %dma_start3A_28 : memref<1x8x10112x16xf32, #tpu.memory_space<hbm>> -> memref<8x10112x16xf32, #tpu.memory_space<hbm>>
        %dma_start3A_30 = arith.constant 0 : i32
        %dma_start3A_31 = arith.constant 0 : i32
        %dma_start3A_32 = tpu.memref_slice %dma_start3A_29[%add3A_19, %dma_start3A_30, %dma_start3A_31] : memref<8x10112x16xf32, #tpu.memory_space<hbm>> -> memref<1x10112x16xf32, #tpu.memory_space<hbm>>
        %dma_start3A_33 = tpu.memref_squeeze %dma_start3A_32 : memref<1x10112x16xf32, #tpu.memory_space<hbm>> -> memref<10112x16xf32, #tpu.memory_space<hbm>>
        %dma_start3A_34 = arith.constant 0 : i32
        %dma_start3A_35 = tpu.memref_slice %dma_start3A_33[%mul3A_2, %dma_start3A_34] : memref<10112x16xf32, #tpu.memory_space<hbm>> -> memref<632x16xf32, #tpu.memory_space<hbm>>
        %dma_start3A_36 = arith.constant 0 : i32
        %dma_start3A_37 = tpu.memref_slice %arg12[%mul3A_2, %dma_start3A_36] : memref<10112x16xf32, #tpu.memory_space<vmem_shared>> -> memref<632x16xf32, #tpu.memory_space<vmem_shared>>
        tpu.enqueue_dma source(%dma_start3A_37 : memref<632x16xf32, #tpu.memory_space<vmem_shared>>) target(%dma_start3A_35 : memref<632x16xf32, #tpu.memory_space<hbm>>) target_semaphore(%run_scoped3A : memref<!tpu.dma_semaphore, #tpu.memory_space<semaphore_mem>>)
        %dma_wait3A = arith.constant 0 : i32
        %dma_wait3A_38 = arith.constant 0 : i32
        %dma_wait3A_39 = arith.constant 0 : i32
        %dma_wait3A_40 = tpu.memref_slice %arg6[%arg0, %dma_wait3A, %dma_wait3A_38, %dma_wait3A_39] : memref<2x8x10112x16xf32, #tpu.memory_space<hbm>> -> memref<1x8x10112x16xf32, #tpu.memory_space<hbm>>
        %dma_wait3A_41 = tpu.memref_squeeze %dma_wait3A_40 : memref<1x8x10112x16xf32, #tpu.memory_space<hbm>> -> memref<8x10112x16xf32, #tpu.memory_space<hbm>>
        %dma_wait3A_42 = arith.constant 0 : i32
        %dma_wait3A_43 = arith.constant 0 : i32
        %dma_wait3A_44 = tpu.memref_slice %dma_wait3A_41[%add3A_19, %dma_wait3A_42, %dma_wait3A_43] : memref<8x10112x16xf32, #tpu.memory_space<hbm>> -> memref<1x10112x16xf32, #tpu.memory_space<hbm>>
        %dma_wait3A_45 = tpu.memref_squeeze %dma_wait3A_44 : memref<1x10112x16xf32, #tpu.memory_space<hbm>> -> memref<10112x16xf32, #tpu.memory_space<hbm>>
        %dma_wait3A_46 = arith.constant 0 : i32
        %dma_wait3A_47 = tpu.memref_slice %dma_wait3A_45[%mul3A_2, %dma_wait3A_46] : memref<10112x16xf32, #tpu.memory_space<hbm>> -> memref<632x16xf32, #tpu.memory_space<hbm>>
        %dma_wait3A_48 = arith.constant 0 : i32
        %dma_wait3A_49 = tpu.memref_slice %arg12[%mul3A_2, %dma_wait3A_48] : memref<10112x16xf32, #tpu.memory_space<vmem_shared>> -> memref<632x16xf32, #tpu.memory_space<vmem_shared>>
        tpu.wait_dma2 semaphore(%run_scoped3A : memref<!tpu.dma_semaphore, #tpu.memory_space<semaphore_mem>>) src(%dma_wait3A_49 : memref<632x16xf32, #tpu.memory_space<vmem_shared>>) dst(%dma_wait3A_47 : memref<632x16xf32, #tpu.memory_space<hbm>>)
        tpu.yield
      }) : () -> ()
    }
    %scan3A_14 = arith.constant 8 : i32
    "tpu.region"() ({
      %run_scoped3A = tpu.sem_alloc : memref<!tpu.dma_semaphore, #tpu.memory_space<semaphore_mem>>
      %dma_start3A = arith.constant 0 : i32
      %dma_start3A_15 = tpu.memref_slice %arg7[%add3A, %dma_start3A] : memref<32x10112xf32, #tpu.memory_space<hbm>> -> memref<1x10112xf32, #tpu.memory_space<hbm>>
      %dma_start3A_16 = tpu.memref_squeeze %dma_start3A_15 : memref<1x10112xf32, #tpu.memory_space<hbm>> -> memref<10112xf32, #tpu.memory_space<hbm>>
      %dma_start3A_17 = arith.constant 0 : i32
      %dma_start3A_18 = tpu.memref_slice %arg7[%add3A, %dma_start3A_17] : memref<32x10112xf32, #tpu.memory_space<hbm>> -> memref<1x10112xf32, #tpu.memory_space<hbm>>
      %dma_start3A_19 = tpu.memref_squeeze %dma_start3A_18 : memref<1x10112xf32, #tpu.memory_space<hbm>> -> memref<10112xf32, #tpu.memory_space<hbm>>
      tpu.enqueue_dma source(%arg11 : memref<10112xf32, #tpu.memory_space<vmem>>) target(%dma_start3A_19 : memref<10112xf32, #tpu.memory_space<hbm>>) target_semaphore(%run_scoped3A : memref<!tpu.dma_semaphore, #tpu.memory_space<semaphore_mem>>)
      %dma_wait3A = arith.constant 0 : i32
      %dma_wait3A_20 = tpu.memref_slice %arg7[%add3A, %dma_wait3A] : memref<32x10112xf32, #tpu.memory_space<hbm>> -> memref<1x10112xf32, #tpu.memory_space<hbm>>
      %dma_wait3A_21 = tpu.memref_squeeze %dma_wait3A_20 : memref<1x10112xf32, #tpu.memory_space<hbm>> -> memref<10112xf32, #tpu.memory_space<hbm>>
      %dma_wait3A_22 = arith.constant 0 : i32
      %dma_wait3A_23 = tpu.memref_slice %arg7[%add3A, %dma_wait3A_22] : memref<32x10112xf32, #tpu.memory_space<hbm>> -> memref<1x10112xf32, #tpu.memory_space<hbm>>
      %dma_wait3A_24 = tpu.memref_squeeze %dma_wait3A_23 : memref<1x10112xf32, #tpu.memory_space<hbm>> -> memref<10112xf32, #tpu.memory_space<hbm>>
      tpu.wait_dma2 semaphore(%run_scoped3A : memref<!tpu.dma_semaphore, #tpu.memory_space<semaphore_mem>>) src(%arg11 : memref<10112xf32, #tpu.memory_space<vmem>>) dst(%dma_wait3A_24 : memref<10112xf32, #tpu.memory_space<hbm>>)
      tpu.yield
    }) : () -> ()
    return
  }
}

#map = affine_map<(d0, d1) -> (0, 0)>
#map1 = affine_map<(d0, d1) -> (0, 0, 0, 0)>
#map2 = affine_map<(d0, d1) -> (0, 0, 0)>
module attributes {stable_mosaic.version = 14 : i64} {
  func.func @k(%arg0: i32, %arg1: i32, %arg2: memref<80000x16xf32, #tpu.memory_space<hbm>>, %arg3: memref<8x32x157x128xi32, #tpu.memory_space<hbm>>, %arg4: memref<32x157x128xi32, #tpu.memory_space<hbm>>, %arg5: memref<632x16xf32, #tpu.memory_space<hbm>>, %arg6: memref<2x8x10112x16xf32, #tpu.memory_space<hbm>>, %arg7: memref<32x10112xf32, #tpu.memory_space<hbm>>, %arg8: memref<157x128xi32, #tpu.memory_space<vmem>>, %arg9: memref<157x128xi32, #tpu.memory_space<vmem>>, %arg10: memref<128x16xf32, #tpu.memory_space<vmem>>, %arg11: memref<10112xf32, #tpu.memory_space<vmem>>, %arg12: memref<10112x16xf32, #tpu.memory_space<vmem_shared>>, %arg13: memref<!tpu.dma_semaphore, #tpu.memory_space<semaphore_mem>>) attributes {dimension_semantics = [#tpu.dimension_semantics<core_parallel>, #tpu.dimension_semantics<subcore_parallel>], iteration_bounds = array<i64: 2, 16>, scalar_prefetch = 0 : i64, scratch_operands = 6 : i64, tpu.core_type = #tpu.core_type<sc_vector_subcore>, window_params = [{transform_indices = #map}, {transform_indices = #map1}, {transform_indices = #map2}, {transform_indices = #map}, {transform_indices = #map1}, {transform_indices = #map}]} {
    %mul3A = arith.constant 16 : i32
    %mul3A_0 = arith.muli %arg0, %mul3A : i32
    %add3A = arith.addi %mul3A_0, %arg1 : i32
    %mul3A_1 = arith.constant 632 : i32
    %mul3A_2 = arith.muli %arg1, %mul3A_1 : i32
    "tpu.region"() ({
      %run_scoped3A = tpu.sem_alloc : memref<!tpu.dma_semaphore, #tpu.memory_space<semaphore_mem>>
      %dma_start3A = arith.constant 0 : i32
      %dma_start3A_15 = arith.constant 0 : i32
      %dma_start3A_16 = tpu.memref_slice %arg4[%add3A, %dma_start3A, %dma_start3A_15] : memref<32x157x128xi32, #tpu.memory_space<hbm>> -> memref<1x157x128xi32, #tpu.memory_space<hbm>>
      %dma_start3A_17 = tpu.memref_squeeze %dma_start3A_16 : memref<1x157x128xi32, #tpu.memory_space<hbm>> -> memref<157x128xi32, #tpu.memory_space<hbm>>
      %dma_start3A_18 = arith.constant 0 : i32
      %dma_start3A_19 = arith.constant 0 : i32
      %dma_start3A_20 = tpu.memref_slice %arg4[%add3A, %dma_start3A_18, %dma_start3A_19] : memref<32x157x128xi32, #tpu.memory_space<hbm>> -> memref<1x157x128xi32, #tpu.memory_space<hbm>>
      %dma_start3A_21 = tpu.memref_squeeze %dma_start3A_20 : memref<1x157x128xi32, #tpu.memory_space<hbm>> -> memref<157x128xi32, #tpu.memory_space<hbm>>
      tpu.enqueue_dma source(%dma_start3A_21 : memref<157x128xi32, #tpu.memory_space<hbm>>) target(%arg9 : memref<157x128xi32, #tpu.memory_space<vmem>>) target_semaphore(%run_scoped3A : memref<!tpu.dma_semaphore, #tpu.memory_space<semaphore_mem>>)
      %dma_wait3A = arith.constant 0 : i32
      %dma_wait3A_22 = arith.constant 0 : i32
      %dma_wait3A_23 = tpu.memref_slice %arg4[%add3A, %dma_wait3A, %dma_wait3A_22] : memref<32x157x128xi32, #tpu.memory_space<hbm>> -> memref<1x157x128xi32, #tpu.memory_space<hbm>>
      %dma_wait3A_24 = tpu.memref_squeeze %dma_wait3A_23 : memref<1x157x128xi32, #tpu.memory_space<hbm>> -> memref<157x128xi32, #tpu.memory_space<hbm>>
      %dma_wait3A_25 = arith.constant 0 : i32
      %dma_wait3A_26 = arith.constant 0 : i32
      %dma_wait3A_27 = tpu.memref_slice %arg4[%add3A, %dma_wait3A_25, %dma_wait3A_26] : memref<32x157x128xi32, #tpu.memory_space<hbm>> -> memref<1x157x128xi32, #tpu.memory_space<hbm>>
      %dma_wait3A_28 = tpu.memref_squeeze %dma_wait3A_27 : memref<1x157x128xi32, #tpu.memory_space<hbm>> -> memref<157x128xi32, #tpu.memory_space<hbm>>
      tpu.wait_dma2 semaphore(%run_scoped3A : memref<!tpu.dma_semaphore, #tpu.memory_space<semaphore_mem>>) src(%dma_wait3A_28 : memref<157x128xi32, #tpu.memory_space<hbm>>) dst(%arg9 : memref<157x128xi32, #tpu.memory_space<vmem>>)
      tpu.yield
    }) : () -> ()
    %broadcast_in_dim3A = arith.constant 1.000000e+00 : f32
    %broadcast_in_dim3A_3 = vector.broadcast %broadcast_in_dim3A : f32 to vector<16xf32>
    %broadcast_in_dim3A_4 = arith.constant 0.000000e+00 : f32
    %broadcast_in_dim3A_5 = vector.broadcast %broadcast_in_dim3A_4 : f32 to vector<16xf32>
    %scan3A = arith.constant 0 : i32
    %scan3A_6 = arith.constant 632 : i32
    %scan3A_7 = arith.addi %scan3A, %scan3A_6 : i32
    %scan3A_8 = arith.constant 1 : i32
    scf.for %scan3A_15 = %scan3A to %scan3A_7 step %scan3A_8  : i32 {
      %mul3A_16 = arith.constant 1 : i32
      %mul3A_17 = arith.muli %scan3A_15, %mul3A_16 : i32
      %add3A_18 = arith.constant 0 : i32
      %add3A_19 = arith.addi %add3A_18, %mul3A_17 : i32
      %mul3A_20 = arith.constant 16 : i32
      %mul3A_21 = arith.muli %add3A_19, %mul3A_20 : i32
      %swap3A = arith.index_cast %mul3A_21 : i32 to index
      %swap3A_22 = tpu.vector_load %arg11[%swap3A] {strides = array<i32>} : memref<10112xf32, #tpu.memory_space<vmem>>, vector<16xf32>,
      tpu.vector_store %arg11[%swap3A], %broadcast_in_dim3A_5 {strides = array<i32>} : memref<10112xf32, #tpu.memory_space<vmem>>, vector<16xf32>,
    }
    %scan3A_9 = arith.constant 632 : i32
    %scan3A_10 = arith.constant 0 : i32
    %scan3A_11 = arith.constant 8 : i32
    %scan3A_12 = arith.addi %scan3A_10, %scan3A_11 : i32
    %scan3A_13 = arith.constant 1 : i32
    scf.for %scan3A_15 = %scan3A_10 to %scan3A_12 step %scan3A_13  : i32 {
      %mul3A_16 = arith.constant 1 : i32
      %mul3A_17 = arith.muli %scan3A_15, %mul3A_16 : i32
      %add3A_18 = arith.constant 0 : i32
      %add3A_19 = arith.addi %add3A_18, %mul3A_17 : i32
      "tpu.region"() ({
        %run_scoped3A = tpu.sem_alloc : memref<!tpu.dma_semaphore, #tpu.memory_space<semaphore_mem>>
        %dma_start3A = arith.constant 0 : i32
        %dma_start3A_26 = tpu.memref_slice %arg12[%mul3A_2, %dma_start3A] : memref<10112x16xf32, #tpu.memory_space<vmem_shared>> -> memref<632x16xf32, #tpu.memory_space<vmem_shared>>
        tpu.enqueue_dma source(%arg5 : memref<632x16xf32, #tpu.memory_space<hbm>>) target(%dma_start3A_26 : memref<632x16xf32, #tpu.memory_space<vmem_shared>>) target_semaphore(%run_scoped3A : memref<!tpu.dma_semaphore, #tpu.memory_space<semaphore_mem>>)
        %dma_wait3A = arith.constant 0 : i32
        %dma_wait3A_27 = tpu.memref_slice %arg12[%mul3A_2, %dma_wait3A] : memref<10112x16xf32, #tpu.memory_space<vmem_shared>> -> memref<632x16xf32, #tpu.memory_space<vmem_shared>>
        tpu.wait_dma2 semaphore(%run_scoped3A : memref<!tpu.dma_semaphore, #tpu.memory_space<semaphore_mem>>) src(%arg5 : memref<632x16xf32, #tpu.memory_space<hbm>>) dst(%dma_wait3A_27 : memref<632x16xf32, #tpu.memory_space<vmem_shared>>)
        tpu.yield
      }) : () -> ()
      "tpu.region"() ({
        %run_scoped3A = tpu.sem_alloc : memref<!tpu.dma_semaphore, #tpu.memory_space<semaphore_mem>>
        %dma_start3A = arith.constant 0 : i32
        %dma_start3A_26 = arith.constant 0 : i32
        %dma_start3A_27 = arith.constant 0 : i32
        %dma_start3A_28 = tpu.memref_slice %arg3[%add3A_19, %dma_start3A, %dma_start3A_26, %dma_start3A_27] : memref<8x32x157x128xi32, #tpu.memory_space<hbm>> -> memref<1x32x157x128xi32, #tpu.memory_space<hbm>>
        %dma_start3A_29 = tpu.memref_squeeze %dma_start3A_28 : memref<1x32x157x128xi32, #tpu.memory_space<hbm>> -> memref<32x157x128xi32, #tpu.memory_space<hbm>>
        %dma_start3A_30 = arith.constant 0 : i32
        %dma_start3A_31 = arith.constant 0 : i32
        %dma_start3A_32 = tpu.memref_slice %dma_start3A_29[%add3A, %dma_start3A_30, %dma_start3A_31] : memref<32x157x128xi32, #tpu.memory_space<hbm>> -> memref<1x157x128xi32, #tpu.memory_space<hbm>>
        %dma_start3A_33 = tpu.memref_squeeze %dma_start3A_32 : memref<1x157x128xi32, #tpu.memory_space<hbm>> -> memref<157x128xi32, #tpu.memory_space<hbm>>
        %dma_start3A_34 = arith.constant 0 : i32
        %dma_start3A_35 = arith.constant 0 : i32
        %dma_start3A_36 = arith.constant 0 : i32
        %dma_start3A_37 = tpu.memref_slice %arg3[%add3A_19, %dma_start3A_34, %dma_start3A_35, %dma_start3A_36] : memref<8x32x157x128xi32, #tpu.memory_space<hbm>> -> memref<1x32x157x128xi32, #tpu.memory_space<hbm>>
        %dma_start3A_38 = tpu.memref_squeeze %dma_start3A_37 : memref<1x32x157x128xi32, #tpu.memory_space<hbm>> -> memref<32x157x128xi32, #tpu.memory_space<hbm>>
        %dma_start3A_39 = arith.constant 0 : i32
        %dma_start3A_40 = arith.constant 0 : i32
        %dma_start3A_41 = tpu.memref_slice %dma_start3A_38[%add3A, %dma_start3A_39, %dma_start3A_40] : memref<32x157x128xi32, #tpu.memory_space<hbm>> -> memref<1x157x128xi32, #tpu.memory_space<hbm>>
        %dma_start3A_42 = tpu.memref_squeeze %dma_start3A_41 : memref<1x157x128xi32, #tpu.memory_space<hbm>> -> memref<157x128xi32, #tpu.memory_space<hbm>>
        tpu.enqueue_dma source(%dma_start3A_42 : memref<157x128xi32, #tpu.memory_space<hbm>>) target(%arg8 : memref<157x128xi32, #tpu.memory_space<vmem>>) target_semaphore(%run_scoped3A : memref<!tpu.dma_semaphore, #tpu.memory_space<semaphore_mem>>)
        %dma_wait3A = arith.constant 0 : i32
        %dma_wait3A_43 = arith.constant 0 : i32
        %dma_wait3A_44 = arith.constant 0 : i32
        %dma_wait3A_45 = tpu.memref_slice %arg3[%add3A_19, %dma_wait3A, %dma_wait3A_43, %dma_wait3A_44] : memref<8x32x157x128xi32, #tpu.memory_space<hbm>> -> memref<1x32x157x128xi32, #tpu.memory_space<hbm>>
        %dma_wait3A_46 = tpu.memref_squeeze %dma_wait3A_45 : memref<1x32x157x128xi32, #tpu.memory_space<hbm>> -> memref<32x157x128xi32, #tpu.memory_space<hbm>>
        %dma_wait3A_47 = arith.constant 0 : i32
        %dma_wait3A_48 = arith.constant 0 : i32
        %dma_wait3A_49 = tpu.memref_slice %dma_wait3A_46[%add3A, %dma_wait3A_47, %dma_wait3A_48] : memref<32x157x128xi32, #tpu.memory_space<hbm>> -> memref<1x157x128xi32, #tpu.memory_space<hbm>>
        %dma_wait3A_50 = tpu.memref_squeeze %dma_wait3A_49 : memref<1x157x128xi32, #tpu.memory_space<hbm>> -> memref<157x128xi32, #tpu.memory_space<hbm>>
        %dma_wait3A_51 = arith.constant 0 : i32
        %dma_wait3A_52 = arith.constant 0 : i32
        %dma_wait3A_53 = arith.constant 0 : i32
        %dma_wait3A_54 = tpu.memref_slice %arg3[%add3A_19, %dma_wait3A_51, %dma_wait3A_52, %dma_wait3A_53] : memref<8x32x157x128xi32, #tpu.memory_space<hbm>> -> memref<1x32x157x128xi32, #tpu.memory_space<hbm>>
        %dma_wait3A_55 = tpu.memref_squeeze %dma_wait3A_54 : memref<1x32x157x128xi32, #tpu.memory_space<hbm>> -> memref<32x157x128xi32, #tpu.memory_space<hbm>>
        %dma_wait3A_56 = arith.constant 0 : i32
        %dma_wait3A_57 = arith.constant 0 : i32
        %dma_wait3A_58 = tpu.memref_slice %dma_wait3A_55[%add3A, %dma_wait3A_56, %dma_wait3A_57] : memref<32x157x128xi32, #tpu.memory_space<hbm>> -> memref<1x157x128xi32, #tpu.memory_space<hbm>>
        %dma_wait3A_59 = tpu.memref_squeeze %dma_wait3A_58 : memref<1x157x128xi32, #tpu.memory_space<hbm>> -> memref<157x128xi32, #tpu.memory_space<hbm>>
        tpu.wait_dma2 semaphore(%run_scoped3A : memref<!tpu.dma_semaphore, #tpu.memory_space<semaphore_mem>>) src(%dma_wait3A_59 : memref<157x128xi32, #tpu.memory_space<hbm>>) dst(%arg8 : memref<157x128xi32, #tpu.memory_space<vmem>>)
        tpu.yield
      }) : () -> ()
      %barrier3A = arith.constant 0 : index
      tpu.barrier barrier_id(%barrier3A)
      %scan3A_20 = arith.constant 0 : i32
      %scan3A_21 = arith.constant 157 : i32
      %scan3A_22 = arith.addi %scan3A_20, %scan3A_21 : i32
      %scan3A_23 = arith.constant 1 : i32
      scf.for %scan3A_26 = %scan3A_20 to %scan3A_22 step %scan3A_23  : i32 {
        %mul3A_27 = arith.constant 1 : i32
        %mul3A_28 = arith.muli %scan3A_26, %mul3A_27 : i32
        %add3A_29 = arith.constant 0 : i32
        %add3A_30 = arith.addi %add3A_29, %mul3A_28 : i32
        %dma_start3A = arith.constant 0 : i32
        %dma_start3A_31 = tpu.memref_slice %arg8[%add3A_30, %dma_start3A] : memref<157x128xi32, #tpu.memory_space<vmem>> -> memref<1x128xi32, #tpu.memory_space<vmem>>
        %dma_start3A_32 = tpu.memref_squeeze %dma_start3A_31 : memref<1x128xi32, #tpu.memory_space<vmem>> -> memref<128xi32, #tpu.memory_space<vmem>>
        %dma_start3A_33 = arith.constant 0 : i32
        %dma_start3A_34 = arith.constant 0 : i32
        %dma_start3A_35 = tpu.memref_slice %arg2[%dma_start3A_33, %dma_start3A_34] : memref<80000x16xf32, #tpu.memory_space<hbm>> -> memref<80000x16xf32, #tpu.memory_space<hbm>>
        tpu.enqueue_indirect_dma source(%dma_start3A_35 : memref<80000x16xf32, #tpu.memory_space<hbm>>) target(%arg10 : memref<128x16xf32, #tpu.memory_space<vmem>>) offsets(%dma_start3A_32 : memref<128xi32, #tpu.memory_space<vmem>>) semaphore(%arg13 : memref<!tpu.dma_semaphore, #tpu.memory_space<semaphore_mem>>)
        %dma_wait3A = arith.constant 0 : i32
        %dma_wait3A_36 = tpu.memref_slice %arg8[%add3A_30, %dma_wait3A] : memref<157x128xi32, #tpu.memory_space<vmem>> -> memref<1x128xi32, #tpu.memory_space<vmem>>
        %dma_wait3A_37 = tpu.memref_squeeze %dma_wait3A_36 : memref<1x128xi32, #tpu.memory_space<vmem>> -> memref<128xi32, #tpu.memory_space<vmem>>
        %dma_wait3A_38 = arith.constant 0 : i32
        %dma_wait3A_39 = arith.constant 0 : i32
        %dma_wait3A_40 = tpu.memref_slice %arg2[%dma_wait3A_38, %dma_wait3A_39] : memref<80000x16xf32, #tpu.memory_space<hbm>> -> memref<80000x16xf32, #tpu.memory_space<hbm>>
        tpu.wait_indirect_dma semaphore(%arg13 : memref<!tpu.dma_semaphore, #tpu.memory_space<semaphore_mem>>) src(%dma_wait3A_40 : memref<80000x16xf32, #tpu.memory_space<hbm>>) dst(%arg10 : memref<128x16xf32, #tpu.memory_space<vmem>>)
        "tpu.region"() ({
          %run_scoped3A = tpu.sem_alloc : memref<!tpu.dma_semaphore, #tpu.memory_space<semaphore_mem>>
          %dma_start3A_43 = arith.constant 0 : i32
          %dma_start3A_44 = tpu.memref_slice %arg9[%add3A_30, %dma_start3A_43] : memref<157x128xi32, #tpu.memory_space<vmem>> -> memref<1x128xi32, #tpu.memory_space<vmem>>
          %dma_start3A_45 = tpu.memref_squeeze %dma_start3A_44 : memref<1x128xi32, #tpu.memory_space<vmem>> -> memref<128xi32, #tpu.memory_space<vmem>>
          %dma_start3A_46 = arith.constant 0 : i32
          %dma_start3A_47 = arith.constant 0 : i32
          %dma_start3A_48 = tpu.memref_slice %arg12[%dma_start3A_46, %dma_start3A_47] : memref<10112x16xf32, #tpu.memory_space<vmem_shared>> -> memref<10112x16xf32, #tpu.memory_space<vmem_shared>>
          tpu.enqueue_indirect_dma source(%arg10 : memref<128x16xf32, #tpu.memory_space<vmem>>) target(%dma_start3A_48 : memref<10112x16xf32, #tpu.memory_space<vmem_shared>>) offsets(%dma_start3A_45 : memref<128xi32, #tpu.memory_space<vmem>>) semaphore(%run_scoped3A : memref<!tpu.dma_semaphore, #tpu.memory_space<semaphore_mem>>) {add = true}
          %dma_wait3A_49 = arith.constant 0 : i32
          %dma_wait3A_50 = tpu.memref_slice %arg9[%add3A_30, %dma_wait3A_49] : memref<157x128xi32, #tpu.memory_space<vmem>> -> memref<1x128xi32, #tpu.memory_space<vmem>>
          %dma_wait3A_51 = tpu.memref_squeeze %dma_wait3A_50 : memref<1x128xi32, #tpu.memory_space<vmem>> -> memref<128xi32, #tpu.memory_space<vmem>>
          %dma_wait3A_52 = arith.constant 0 : i32
          %dma_wait3A_53 = arith.constant 0 : i32
          %dma_wait3A_54 = tpu.memref_slice %arg12[%dma_wait3A_52, %dma_wait3A_53] : memref<10112x16xf32, #tpu.memory_space<vmem_shared>> -> memref<10112x16xf32, #tpu.memory_space<vmem_shared>>
          tpu.wait_indirect_dma semaphore(%run_scoped3A : memref<!tpu.dma_semaphore, #tpu.memory_space<semaphore_mem>>) src(%arg10 : memref<128x16xf32, #tpu.memory_space<vmem>>) dst(%dma_wait3A_54 : memref<10112x16xf32, #tpu.memory_space<vmem_shared>>)
          tpu.yield
        }) : () -> ()
        %eq3A = arith.constant 0 : i32
        %eq3A_41 = arith.cmpi eq, %add3A_19, %eq3A : i32
        %convert_element_type3A = arith.extui %eq3A_41 : i1 to i32
        %cond3A = arith.constant 0 : i32
        %cond3A_42 = arith.cmpi ne, %convert_element_type3A, %cond3A : i32
        scf.if %cond3A_42 {
          %get3A = arith.index_cast %add3A_30 : i32 to index
          %get3A_43 = arith.constant 0 : index
          %get3A_44 = tpu.vector_load %arg9[%get3A, %get3A_43] {strides = array<i32>} : memref<157x128xi32, #tpu.memory_space<vmem>>, vector<16xi32>,
          tpu.vector_store_idx %arg11[%get3A_44], %broadcast_in_dim3A_3 {add = true} : memref<10112xf32, #tpu.memory_space<vmem>>[vector<16xi32>], vector<16xf32>,
          %get3A_45 = arith.index_cast %add3A_30 : i32 to index
          %get3A_46 = arith.constant 16 : index
          %get3A_47 = tpu.vector_load %arg9[%get3A_45, %get3A_46] {strides = array<i32>} : memref<157x128xi32, #tpu.memory_space<vmem>>, vector<16xi32>,
          tpu.vector_store_idx %arg11[%get3A_47], %broadcast_in_dim3A_3 {add = true} : memref<10112xf32, #tpu.memory_space<vmem>>[vector<16xi32>], vector<16xf32>,
          %get3A_48 = arith.index_cast %add3A_30 : i32 to index
          %get3A_49 = arith.constant 32 : index
          %get3A_50 = tpu.vector_load %arg9[%get3A_48, %get3A_49] {strides = array<i32>} : memref<157x128xi32, #tpu.memory_space<vmem>>, vector<16xi32>,
          tpu.vector_store_idx %arg11[%get3A_50], %broadcast_in_dim3A_3 {add = true} : memref<10112xf32, #tpu.memory_space<vmem>>[vector<16xi32>], vector<16xf32>,
          %get3A_51 = arith.index_cast %add3A_30 : i32 to index
          %get3A_52 = arith.constant 48 : index
          %get3A_53 = tpu.vector_load %arg9[%get3A_51, %get3A_52] {strides = array<i32>} : memref<157x128xi32, #tpu.memory_space<vmem>>, vector<16xi32>,
          tpu.vector_store_idx %arg11[%get3A_53], %broadcast_in_dim3A_3 {add = true} : memref<10112xf32, #tpu.memory_space<vmem>>[vector<16xi32>], vector<16xf32>,
          %get3A_54 = arith.index_cast %add3A_30 : i32 to index
          %get3A_55 = arith.constant 64 : index
          %get3A_56 = tpu.vector_load %arg9[%get3A_54, %get3A_55] {strides = array<i32>} : memref<157x128xi32, #tpu.memory_space<vmem>>, vector<16xi32>,
          tpu.vector_store_idx %arg11[%get3A_56], %broadcast_in_dim3A_3 {add = true} : memref<10112xf32, #tpu.memory_space<vmem>>[vector<16xi32>], vector<16xf32>,
          %get3A_57 = arith.index_cast %add3A_30 : i32 to index
          %get3A_58 = arith.constant 80 : index
          %get3A_59 = tpu.vector_load %arg9[%get3A_57, %get3A_58] {strides = array<i32>} : memref<157x128xi32, #tpu.memory_space<vmem>>, vector<16xi32>,
          tpu.vector_store_idx %arg11[%get3A_59], %broadcast_in_dim3A_3 {add = true} : memref<10112xf32, #tpu.memory_space<vmem>>[vector<16xi32>], vector<16xf32>,
          %get3A_60 = arith.index_cast %add3A_30 : i32 to index
          %get3A_61 = arith.constant 96 : index
          %get3A_62 = tpu.vector_load %arg9[%get3A_60, %get3A_61] {strides = array<i32>} : memref<157x128xi32, #tpu.memory_space<vmem>>, vector<16xi32>,
          tpu.vector_store_idx %arg11[%get3A_62], %broadcast_in_dim3A_3 {add = true} : memref<10112xf32, #tpu.memory_space<vmem>>[vector<16xi32>], vector<16xf32>,
          %get3A_63 = arith.index_cast %add3A_30 : i32 to index
          %get3A_64 = arith.constant 112 : index
          %get3A_65 = tpu.vector_load %arg9[%get3A_63, %get3A_64] {strides = array<i32>} : memref<157x128xi32, #tpu.memory_space<vmem>>, vector<16xi32>,
          tpu.vector_store_idx %arg11[%get3A_65], %broadcast_in_dim3A_3 {add = true} : memref<10112xf32, #tpu.memory_space<vmem>>[vector<16xi32>], vector<16xf32>,
        } else {
        }
      }
      %scan3A_24 = arith.constant 157 : i32
      %barrier3A_25 = arith.constant 0 : index
      tpu.barrier barrier_id(%barrier3A_25)
      "tpu.region"() ({
        %run_scoped3A = tpu.sem_alloc : memref<!tpu.dma_semaphore, #tpu.memory_space<semaphore_mem>>
        %dma_start3A = arith.constant 0 : i32
        %dma_start3A_26 = arith.constant 0 : i32
        %dma_start3A_27 = arith.constant 0 : i32
        %dma_start3A_28 = tpu.memref_slice %arg6[%arg0, %dma_start3A, %dma_start3A_26, %dma_start3A_27] : memref<2x8x10112x16xf32, #tpu.memory_space<hbm>> -> memref<1x8x10112x16xf32, #tpu.memory_space<hbm>>
        %dma_start3A_29 = tpu.memref_squeeze %dma_start3A_28 : memref<1x8x10112x16xf32, #tpu.memory_space<hbm>> -> memref<8x10112x16xf32, #tpu.memory_space<hbm>>
        %dma_start3A_30 = arith.constant 0 : i32
        %dma_start3A_31 = arith.constant 0 : i32
        %dma_start3A_32 = tpu.memref_slice %dma_start3A_29[%add3A_19, %dma_start3A_30, %dma_start3A_31] : memref<8x10112x16xf32, #tpu.memory_space<hbm>> -> memref<1x10112x16xf32, #tpu.memory_space<hbm>>
        %dma_start3A_33 = tpu.memref_squeeze %dma_start3A_32 : memref<1x10112x16xf32, #tpu.memory_space<hbm>> -> memref<10112x16xf32, #tpu.memory_space<hbm>>
        %dma_start3A_34 = arith.constant 0 : i32
        %dma_start3A_35 = tpu.memref_slice %dma_start3A_33[%mul3A_2, %dma_start3A_34] : memref<10112x16xf32, #tpu.memory_space<hbm>> -> memref<632x16xf32, #tpu.memory_space<hbm>>
        %dma_start3A_36 = arith.constant 0 : i32
        %dma_start3A_37 = tpu.memref_slice %arg12[%mul3A_2, %dma_start3A_36] : memref<10112x16xf32, #tpu.memory_space<vmem_shared>> -> memref<632x16xf32, #tpu.memory_space<vmem_shared>>
        tpu.enqueue_dma source(%dma_start3A_37 : memref<632x16xf32, #tpu.memory_space<vmem_shared>>) target(%dma_start3A_35 : memref<632x16xf32, #tpu.memory_space<hbm>>) target_semaphore(%run_scoped3A : memref<!tpu.dma_semaphore, #tpu.memory_space<semaphore_mem>>)
        %dma_wait3A = arith.constant 0 : i32
        %dma_wait3A_38 = arith.constant 0 : i32
        %dma_wait3A_39 = arith.constant 0 : i32
        %dma_wait3A_40 = tpu.memref_slice %arg6[%arg0, %dma_wait3A, %dma_wait3A_38, %dma_wait3A_39] : memref<2x8x10112x16xf32, #tpu.memory_space<hbm>> -> memref<1x8x10112x16xf32, #tpu.memory_space<hbm>>
        %dma_wait3A_41 = tpu.memref_squeeze %dma_wait3A_40 : memref<1x8x10112x16xf32, #tpu.memory_space<hbm>> -> memref<8x10112x16xf32, #tpu.memory_space<hbm>>
        %dma_wait3A_42 = arith.constant 0 : i32
        %dma_wait3A_43 = arith.constant 0 : i32
        %dma_wait3A_44 = tpu.memref_slice %dma_wait3A_41[%add3A_19, %dma_wait3A_42, %dma_wait3A_43] : memref<8x10112x16xf32, #tpu.memory_space<hbm>> -> memref<1x10112x16xf32, #tpu.memory_space<hbm>>
        %dma_wait3A_45 = tpu.memref_squeeze %dma_wait3A_44 : memref<1x10112x16xf32, #tpu.memory_space<hbm>> -> memref<10112x16xf32, #tpu.memory_space<hbm>>
        %dma_wait3A_46 = arith.constant 0 : i32
        %dma_wait3A_47 = tpu.memref_slice %dma_wait3A_45[%mul3A_2, %dma_wait3A_46] : memref<10112x16xf32, #tpu.memory_space<hbm>> -> memref<632x16xf32, #tpu.memory_space<hbm>>
        %dma_wait3A_48 = arith.constant 0 : i32
        %dma_wait3A_49 = tpu.memref_slice %arg12[%mul3A_2, %dma_wait3A_48] : memref<10112x16xf32, #tpu.memory_space<vmem_shared>> -> memref<632x16xf32, #tpu.memory_space<vmem_shared>>
        tpu.wait_dma2 semaphore(%run_scoped3A : memref<!tpu.dma_semaphore, #tpu.memory_space<semaphore_mem>>) src(%dma_wait3A_49 : memref<632x16xf32, #tpu.memory_space<vmem_shared>>) dst(%dma_wait3A_47 : memref<632x16xf32, #tpu.memory_space<hbm>>)
        tpu.yield
      }) : () -> ()
    }
    %scan3A_14 = arith.constant 8 : i32
    "tpu.region"() ({
      %run_scoped3A = tpu.sem_alloc : memref<!tpu.dma_semaphore, #tpu.memory_space<semaphore_mem>>
      %dma_start3A = arith.constant 0 : i32
      %dma_start3A_15 = tpu.memref_slice %arg7[%add3A, %dma_start3A] : memref<32x10112xf32, #tpu.memory_space<hbm>> -> memref<1x10112xf32, #tpu.memory_space<hbm>>
      %dma_start3A_16 = tpu.memref_squeeze %dma_start3A_15 : memref<1x10112xf32, #tpu.memory_space<hbm>> -> memref<10112xf32, #tpu.memory_space<hbm>>
      %dma_start3A_17 = arith.constant 0 : i32
      %dma_start3A_18 = tpu.memref_slice %arg7[%add3A, %dma_start3A_17] : memref<32x10112xf32, #tpu.memory_space<hbm>> -> memref<1x10112xf32, #tpu.memory_space<hbm>>
      %dma_start3A_19 = tpu.memref_squeeze %dma_start3A_18 : memref<1x10112xf32, #tpu.memory_space<hbm>> -> memref<10112xf32, #tpu.memory_space<hbm>>
      tpu.enqueue_dma source(%arg11 : memref<10112xf32, #tpu.memory_space<vmem>>) target(%dma_start3A_19 : memref<10112xf32, #tpu.memory_space<hbm>>) target_semaphore(%run_scoped3A : memref<!tpu.dma_semaphore, #tpu.memory_space<semaphore_mem>>)
      %dma_wait3A = arith.constant 0 : i32
      %dma_wait3A_20 = tpu.memref_slice %arg7[%add3A, %dma_wait3A] : memref<32x10112xf32, #tpu.memory_space<hbm>> -> memref<1x10112xf32, #tpu.memory_space<hbm>>
      %dma_wait3A_21 = tpu.memref_squeeze %dma_wait3A_20 : memref<1x10112xf32, #tpu.memory_space<hbm>> -> memref<10112xf32, #tpu.memory_space<hbm>>
      %dma_wait3A_22 = arith.constant 0 : i32
      %dma_wait3A_23 = tpu.memref_slice %arg7[%add3A, %dma_wait3A_22] : memref<32x10112xf32, #tpu.memory_space<hbm>> -> memref<1x10112xf32, #tpu.memory_space<hbm>>
      %dma_wait3A_24 = tpu.memref_squeeze %dma_wait3A_23 : memref<1x10112xf32, #tpu.memory_space<hbm>> -> memref<10112xf32, #tpu.memory_space<hbm>>
      tpu.wait_dma2 semaphore(%run_scoped3A : memref<!tpu.dma_semaphore, #tpu.memory_space<semaphore_mem>>) src(%arg11 : memref<10112xf32, #tpu.memory_space<vmem>>) dst(%dma_wait3A_24 : memref<10112xf32, #tpu.memory_space<hbm>>)
      tpu.yield
    }) : () -> ()
    return
  }
}

module attributes {stable_mosaic.version = 14 : i64} {
  func.func @_enc_body(%arg0: i32, %arg1: memref<1000x128xf32, #tpu.memory_space<vmem>>, %arg2: memref<128x64xf32, #tpu.memory_space<vmem>>, %arg3: memref<1x64xf32, #tpu.memory_space<vmem>>, %arg4: memref<64x128xf32, #tpu.memory_space<vmem>>, %arg5: memref<1x128xf32, #tpu.memory_space<vmem>>, %arg6: memref<128x128xf32, #tpu.memory_space<vmem>>, %arg7: memref<8x1000x16xf32, #tpu.memory_space<vmem>>, %arg8: memref<1000x128xf32, #tpu.memory_space<vmem>>) attributes {dimension_semantics = [#tpu.dimension_semantics<arbitrary>], iteration_bounds = array<i64: 10>, scalar_prefetch = 0 : i64, scratch_operands = 0 : i64, tpu.core_type = #tpu.core_type<tc>, window_params = [{transform_indices = @transform_0, window_bounds = array<i64: 1000, 128>}, {pipeline_mode = #tpu.pipeline_mode<synchronous>, transform_indices = @transform_1, window_bounds = array<i64: 128, 64>}, {pipeline_mode = #tpu.pipeline_mode<synchronous>, transform_indices = @transform_2, window_bounds = array<i64: 1, 64>}, {pipeline_mode = #tpu.pipeline_mode<synchronous>, transform_indices = @transform_3, window_bounds = array<i64: 64, 128>}, {pipeline_mode = #tpu.pipeline_mode<synchronous>, transform_indices = @transform_4, window_bounds = array<i64: 1, 128>}, {pipeline_mode = #tpu.pipeline_mode<synchronous>, transform_indices = @transform_5, window_bounds = array<i64: 128, 128>}, {transform_indices = @transform_6, window_bounds = array<i64: 8, 1000, 16>}, {transform_indices = @transform_7, window_bounds = array<i64: 1000, 128>}]} {
    %get3A = arith.constant 0 : index
    %get3A_0 = arith.constant 0 : index
    %get3A_1 = vector.load %arg1[%get3A, %get3A_0] : memref<1000x128xf32, #tpu.memory_space<vmem>>, vector<1000x128xf32>
    %get3A_2 = arith.constant 0 : index
    %get3A_3 = arith.constant 0 : index
    %get3A_4 = vector.load %arg2[%get3A_2, %get3A_3] : memref<128x64xf32, #tpu.memory_space<vmem>>, vector<128x64xf32>
    %dot_general3A = arith.constant dense<0.000000e+00> : vector<1000x64xf32>
    %dot_general3A_5 = tpu.matmul %get3A_1, %get3A_4, %dot_general3A {dimension_numbers = #tpu.dot_dimension_numbers<[1], [0], [0], [1], [0, 0, 1, 1], [], []>, precision = #tpu.contract_precision<fp32>, transpose_lhs_hint = false} : vector<1000x128xf32>, vector<128x64xf32>, vector<1000x64xf32> -> vector<1000x64xf32>
    %get3A_6 = arith.constant 0 : index
    %get3A_7 = arith.constant 0 : index
    %get3A_8 = vector.load %arg3[%get3A_6, %get3A_7] : memref<1x64xf32, #tpu.memory_space<vmem>>, vector<1x64xf32>
    %add3A = vector.broadcast %get3A_8 : vector<1x64xf32> to vector<1000x64xf32>
    %add3A_9 = arith.addf %dot_general3A_5, %add3A : vector<1000x64xf32>
    %max3A = arith.constant 0.000000e+00 : f32
    %max3A_10 = vector.broadcast %max3A : f32 to vector<1000x64xf32>
    %max3A_11 = arith.maximumf %add3A_9, %max3A_10 : vector<1000x64xf32>
    %get3A_12 = arith.constant 0 : index
    %get3A_13 = arith.constant 0 : index
    %get3A_14 = vector.load %arg4[%get3A_12, %get3A_13] : memref<64x128xf32, #tpu.memory_space<vmem>>, vector<64x128xf32>
    %dot_general3A_15 = arith.constant dense<0.000000e+00> : vector<1000x128xf32>
    %dot_general3A_16 = tpu.matmul %max3A_11, %get3A_14, %dot_general3A_15 {dimension_numbers = #tpu.dot_dimension_numbers<[1], [0], [0], [1], [0, 0, 1, 1], [], []>, precision = #tpu.contract_precision<fp32>, transpose_lhs_hint = false} : vector<1000x64xf32>, vector<64x128xf32>, vector<1000x128xf32> -> vector<1000x128xf32>
    %get3A_17 = arith.constant 0 : index
    %get3A_18 = arith.constant 0 : index
    %get3A_19 = vector.load %arg5[%get3A_17, %get3A_18] : memref<1x128xf32, #tpu.memory_space<vmem>>, vector<1x128xf32>
    %add3A_20 = vector.broadcast %get3A_19 : vector<1x128xf32> to vector<1000x128xf32>
    %add3A_21 = arith.addf %dot_general3A_16, %add3A_20 : vector<1000x128xf32>
    %max3A_22 = arith.constant 0.000000e+00 : f32
    %max3A_23 = vector.broadcast %max3A_22 : f32 to vector<1000x128xf32>
    %max3A_24 = arith.maximumf %add3A_21, %max3A_23 : vector<1000x128xf32>
    %slice3A = vector.extract_strided_slice %max3A_24 {offsets = [0, 0], sizes = [1000, 16], strides = [1, 1]} : vector<1000x128xf32> to vector<1000x16xf32>
    %swap3A = arith.constant 0 : index
    %swap3A_25 = arith.constant 0 : index
    %swap3A_26 = arith.constant 0 : index
    %swap3A_27 = vector.load %arg7[%swap3A, %swap3A_25, %swap3A_26] : memref<8x1000x16xf32, #tpu.memory_space<vmem>>, vector<1x1000x16xf32>
    %swap3A_28 = vector.shape_cast %swap3A_27 : vector<1x1000x16xf32> to vector<1000x16xf32>
    %swap3A_29 = vector.shape_cast %slice3A : vector<1000x16xf32> to vector<1x1000x16xf32>
    tpu.vector_store %arg7[%swap3A, %swap3A_25, %swap3A_26], %swap3A_29 {strides = array<i32>} : memref<8x1000x16xf32, #tpu.memory_space<vmem>>, vector<1x1000x16xf32>,
    %slice3A_30 = vector.extract_strided_slice %max3A_24 {offsets = [0, 16], sizes = [1000, 16], strides = [1, 1]} : vector<1000x128xf32> to vector<1000x16xf32>
    %swap3A_31 = arith.constant 1 : index
    %swap3A_32 = arith.constant 0 : index
    %swap3A_33 = arith.constant 0 : index
    %swap3A_34 = vector.load %arg7[%swap3A_31, %swap3A_32, %swap3A_33] : memref<8x1000x16xf32, #tpu.memory_space<vmem>>, vector<1x1000x16xf32>
    %swap3A_35 = vector.shape_cast %swap3A_34 : vector<1x1000x16xf32> to vector<1000x16xf32>
    %swap3A_36 = vector.shape_cast %slice3A_30 : vector<1000x16xf32> to vector<1x1000x16xf32>
    tpu.vector_store %arg7[%swap3A_31, %swap3A_32, %swap3A_33], %swap3A_36 {strides = array<i32>} : memref<8x1000x16xf32, #tpu.memory_space<vmem>>, vector<1x1000x16xf32>,
    %slice3A_37 = vector.extract_strided_slice %max3A_24 {offsets = [0, 32], sizes = [1000, 16], strides = [1, 1]} : vector<1000x128xf32> to vector<1000x16xf32>
    %swap3A_38 = arith.constant 2 : index
    %swap3A_39 = arith.constant 0 : index
    %swap3A_40 = arith.constant 0 : index
    %swap3A_41 = vector.load %arg7[%swap3A_38, %swap3A_39, %swap3A_40] : memref<8x1000x16xf32, #tpu.memory_space<vmem>>, vector<1x1000x16xf32>
    %swap3A_42 = vector.shape_cast %swap3A_41 : vector<1x1000x16xf32> to vector<1000x16xf32>
    %swap3A_43 = vector.shape_cast %slice3A_37 : vector<1000x16xf32> to vector<1x1000x16xf32>
    tpu.vector_store %arg7[%swap3A_38, %swap3A_39, %swap3A_40], %swap3A_43 {strides = array<i32>} : memref<8x1000x16xf32, #tpu.memory_space<vmem>>, vector<1x1000x16xf32>,
    %slice3A_44 = vector.extract_strided_slice %max3A_24 {offsets = [0, 48], sizes = [1000, 16], strides = [1, 1]} : vector<1000x128xf32> to vector<1000x16xf32>
    %swap3A_45 = arith.constant 3 : index
    %swap3A_46 = arith.constant 0 : index
    %swap3A_47 = arith.constant 0 : index
    %swap3A_48 = vector.load %arg7[%swap3A_45, %swap3A_46, %swap3A_47] : memref<8x1000x16xf32, #tpu.memory_space<vmem>>, vector<1x1000x16xf32>
    %swap3A_49 = vector.shape_cast %swap3A_48 : vector<1x1000x16xf32> to vector<1000x16xf32>
    %swap3A_50 = vector.shape_cast %slice3A_44 : vector<1000x16xf32> to vector<1x1000x16xf32>
    tpu.vector_store %arg7[%swap3A_45, %swap3A_46, %swap3A_47], %swap3A_50 {strides = array<i32>} : memref<8x1000x16xf32, #tpu.memory_space<vmem>>, vector<1x1000x16xf32>,
    %slice3A_51 = vector.extract_strided_slice %max3A_24 {offsets = [0, 64], sizes = [1000, 16], strides = [1, 1]} : vector<1000x128xf32> to vector<1000x16xf32>
    %swap3A_52 = arith.constant 4 : index
    %swap3A_53 = arith.constant 0 : index
    %swap3A_54 = arith.constant 0 : index
    %swap3A_55 = vector.load %arg7[%swap3A_52, %swap3A_53, %swap3A_54] : memref<8x1000x16xf32, #tpu.memory_space<vmem>>, vector<1x1000x16xf32>
    %swap3A_56 = vector.shape_cast %swap3A_55 : vector<1x1000x16xf32> to vector<1000x16xf32>
    %swap3A_57 = vector.shape_cast %slice3A_51 : vector<1000x16xf32> to vector<1x1000x16xf32>
    tpu.vector_store %arg7[%swap3A_52, %swap3A_53, %swap3A_54], %swap3A_57 {strides = array<i32>} : memref<8x1000x16xf32, #tpu.memory_space<vmem>>, vector<1x1000x16xf32>,
    %slice3A_58 = vector.extract_strided_slice %max3A_24 {offsets = [0, 80], sizes = [1000, 16], strides = [1, 1]} : vector<1000x128xf32> to vector<1000x16xf32>
    %swap3A_59 = arith.constant 5 : index
    %swap3A_60 = arith.constant 0 : index
    %swap3A_61 = arith.constant 0 : index
    %swap3A_62 = vector.load %arg7[%swap3A_59, %swap3A_60, %swap3A_61] : memref<8x1000x16xf32, #tpu.memory_space<vmem>>, vector<1x1000x16xf32>
    %swap3A_63 = vector.shape_cast %swap3A_62 : vector<1x1000x16xf32> to vector<1000x16xf32>
    %swap3A_64 = vector.shape_cast %slice3A_58 : vector<1000x16xf32> to vector<1x1000x16xf32>
    tpu.vector_store %arg7[%swap3A_59, %swap3A_60, %swap3A_61], %swap3A_64 {strides = array<i32>} : memref<8x1000x16xf32, #tpu.memory_space<vmem>>, vector<1x1000x16xf32>,
    %slice3A_65 = vector.extract_strided_slice %max3A_24 {offsets = [0, 96], sizes = [1000, 16], strides = [1, 1]} : vector<1000x128xf32> to vector<1000x16xf32>
    %swap3A_66 = arith.constant 6 : index
    %swap3A_67 = arith.constant 0 : index
    %swap3A_68 = arith.constant 0 : index
    %swap3A_69 = vector.load %arg7[%swap3A_66, %swap3A_67, %swap3A_68] : memref<8x1000x16xf32, #tpu.memory_space<vmem>>, vector<1x1000x16xf32>
    %swap3A_70 = vector.shape_cast %swap3A_69 : vector<1x1000x16xf32> to vector<1000x16xf32>
    %swap3A_71 = vector.shape_cast %slice3A_65 : vector<1000x16xf32> to vector<1x1000x16xf32>
    tpu.vector_store %arg7[%swap3A_66, %swap3A_67, %swap3A_68], %swap3A_71 {strides = array<i32>} : memref<8x1000x16xf32, #tpu.memory_space<vmem>>, vector<1x1000x16xf32>,
    %slice3A_72 = vector.extract_strided_slice %max3A_24 {offsets = [0, 112], sizes = [1000, 16], strides = [1, 1]} : vector<1000x128xf32> to vector<1000x16xf32>
    %swap3A_73 = arith.constant 7 : index
    %swap3A_74 = arith.constant 0 : index
    %swap3A_75 = arith.constant 0 : index
    %swap3A_76 = vector.load %arg7[%swap3A_73, %swap3A_74, %swap3A_75] : memref<8x1000x16xf32, #tpu.memory_space<vmem>>, vector<1x1000x16xf32>
    %swap3A_77 = vector.shape_cast %swap3A_76 : vector<1x1000x16xf32> to vector<1000x16xf32>
    %swap3A_78 = vector.shape_cast %slice3A_72 : vector<1000x16xf32> to vector<1x1000x16xf32>
    tpu.vector_store %arg7[%swap3A_73, %swap3A_74, %swap3A_75], %swap3A_78 {strides = array<i32>} : memref<8x1000x16xf32, #tpu.memory_space<vmem>>, vector<1x1000x16xf32>,
    %get3A_79 = arith.constant 0 : index
    %get3A_80 = arith.constant 0 : index
    %get3A_81 = vector.load %arg6[%get3A_79, %get3A_80] : memref<128x128xf32, #tpu.memory_space<vmem>>, vector<128x128xf32>
    %dot_general3A_82 = arith.constant dense<0.000000e+00> : vector<1000x128xf32>
    %dot_general3A_83 = tpu.matmul %max3A_24, %get3A_81, %dot_general3A_82 {dimension_numbers = #tpu.dot_dimension_numbers<[1], [0], [0], [1], [0, 0, 1, 1], [], []>, precision = #tpu.contract_precision<fp32>, transpose_lhs_hint = false} : vector<1000x128xf32>, vector<128x128xf32>, vector<1000x128xf32> -> vector<1000x128xf32>
    %swap3A_84 = arith.constant 0 : index
    %swap3A_85 = arith.constant 0 : index
    %swap3A_86 = vector.load %arg8[%swap3A_84, %swap3A_85] : memref<1000x128xf32, #tpu.memory_space<vmem>>, vector<1000x128xf32>
    tpu.vector_store %arg8[%swap3A_84, %swap3A_85], %dot_general3A_83 {strides = array<i32>} : memref<1000x128xf32, #tpu.memory_space<vmem>>, vector<1000x128xf32>,
    return
  }
  func.func @transform_0(%arg0: i32) -> (i32, i32) {
    %c0_i32 = arith.constant 0 : i32
    %c0_i32_0 = arith.constant 0 : i32
    return %arg0, %c0_i32 : i32, i32
  }
  func.func @transform_1(%arg0: i32) -> (i32, i32) {
    %c0_i32 = arith.constant 0 : i32
    %c0_i32_0 = arith.constant 0 : i32
    %c0_i32_1 = arith.constant 0 : i32
    return %c0_i32, %c0_i32_0 : i32, i32
  }
  func.func @transform_2(%arg0: i32) -> (i32, i32) {
    %c0_i32 = arith.constant 0 : i32
    %c0_i32_0 = arith.constant 0 : i32
    %c0_i32_1 = arith.constant 0 : i32
    return %c0_i32, %c0_i32_0 : i32, i32
  }
  func.func @transform_3(%arg0: i32) -> (i32, i32) {
    %c0_i32 = arith.constant 0 : i32
    %c0_i32_0 = arith.constant 0 : i32
    %c0_i32_1 = arith.constant 0 : i32
    return %c0_i32, %c0_i32_0 : i32, i32
  }
  func.func @transform_4(%arg0: i32) -> (i32, i32) {
    %c0_i32 = arith.constant 0 : i32
    %c0_i32_0 = arith.constant 0 : i32
    %c0_i32_1 = arith.constant 0 : i32
    return %c0_i32, %c0_i32_0 : i32, i32
  }
  func.func @transform_5(%arg0: i32) -> (i32, i32) {
    %c0_i32 = arith.constant 0 : i32
    %c0_i32_0 = arith.constant 0 : i32
    %c0_i32_1 = arith.constant 0 : i32
    return %c0_i32, %c0_i32_0 : i32, i32
  }
  func.func @transform_6(%arg0: i32) -> (i32, i32, i32) {
    %c0_i32 = arith.constant 0 : i32
    %c0_i32_0 = arith.constant 0 : i32
    %c0_i32_1 = arith.constant 0 : i32
    return %c0_i32, %arg0, %c0_i32_0 : i32, i32, i32
  }
  func.func @transform_7(%arg0: i32) -> (i32, i32) {
    %c0_i32 = arith.constant 0 : i32
    %c0_i32_0 = arith.constant 0 : i32
    return %arg0, %c0_i32 : i32, i32
  }
}

module attributes {stable_mosaic.version = 14 : i64} {
  func.func @_hist_reduce_body(%arg0: i32, %arg1: memref<32x10112xf32, #tpu.memory_space<vmem>>, %arg2: memref<10112x1xf32, #tpu.memory_space<vmem>>) attributes {dimension_semantics = [#tpu.dimension_semantics<arbitrary>], iteration_bounds = array<i64: 1>, scalar_prefetch = 0 : i64, scratch_operands = 0 : i64, tpu.core_type = #tpu.core_type<tc>, window_params = [{pipeline_mode = #tpu.pipeline_mode<synchronous>, transform_indices = @transform_0, window_bounds = array<i64: 32, 10112>}, {pipeline_mode = #tpu.pipeline_mode<synchronous>, transform_indices = @transform_1, window_bounds = array<i64: 10112, 1>}]} {
    %get3A = arith.constant 0 : index
    %get3A_0 = arith.constant 0 : index
    %get3A_1 = vector.load %arg1[%get3A, %get3A_0] : memref<32x10112xf32, #tpu.memory_space<vmem>>, vector<32x10112xf32>
    %reduce_sum3A = arith.constant dense<0.000000e+00> : vector<10112xf32>
    %reduce_sum3A_2 = vector.multi_reduction <add>, %get3A_1, %reduce_sum3A [0] : vector<32x10112xf32> to vector<10112xf32>
    %broadcast_in_dim3A = vector.shape_cast %reduce_sum3A_2 : vector<10112xf32> to vector<10112x1xf32>
    %swap3A = arith.constant 0 : index
    %swap3A_3 = arith.constant 0 : index
    %swap3A_4 = vector.load %arg2[%swap3A, %swap3A_3] : memref<10112x1xf32, #tpu.memory_space<vmem>>, vector<10112x1xf32>
    tpu.vector_store %arg2[%swap3A, %swap3A_3], %broadcast_in_dim3A {strides = array<i32>} : memref<10112x1xf32, #tpu.memory_space<vmem>>, vector<10112x1xf32>,
    return
  }
  func.func @transform_0(%arg0: i32) -> (i32, i32) {
    %c0_i32 = arith.constant 0 : i32
    %c0_i32_0 = arith.constant 0 : i32
    %c0_i32_1 = arith.constant 0 : i32
    return %c0_i32, %c0_i32_0 : i32, i32
  }
  func.func @transform_1(%arg0: i32) -> (i32, i32) {
    %c0_i32 = arith.constant 0 : i32
    %c0_i32_0 = arith.constant 0 : i32
    %c0_i32_1 = arith.constant 0 : i32
    return %c0_i32, %c0_i32_0 : i32, i32
  }
}

module attributes {stable_mosaic.version = 14 : i64} {
  func.func @_comb_mid_body(%arg0: i32, %arg1: memref<2x8x1000x16xf32, #tpu.memory_space<vmem>>, %arg2: memref<1000x1xf32, #tpu.memory_space<vmem>>, %arg3: memref<1000x128xf32, #tpu.memory_space<vmem>>, %arg4: memref<128x128xf32, #tpu.memory_space<vmem>>, %arg5: memref<1x128xf32, #tpu.memory_space<vmem>>, %arg6: memref<128x128xf32, #tpu.memory_space<vmem>>, %arg7: memref<8x1000x16xf32, #tpu.memory_space<vmem>>, %arg8: memref<1000x128xf32, #tpu.memory_space<vmem>>) attributes {dimension_semantics = [#tpu.dimension_semantics<arbitrary>], iteration_bounds = array<i64: 10>, scalar_prefetch = 0 : i64, scratch_operands = 0 : i64, tpu.core_type = #tpu.core_type<tc>, window_params = [{transform_indices = @transform_0, window_bounds = array<i64: 2, 8, 1000, 16>}, {transform_indices = @transform_1, window_bounds = array<i64: 1000, 1>}, {transform_indices = @transform_2, window_bounds = array<i64: 1000, 128>}, {pipeline_mode = #tpu.pipeline_mode<synchronous>, transform_indices = @transform_3, window_bounds = array<i64: 128, 128>}, {pipeline_mode = #tpu.pipeline_mode<synchronous>, transform_indices = @transform_4, window_bounds = array<i64: 1, 128>}, {pipeline_mode = #tpu.pipeline_mode<synchronous>, transform_indices = @transform_5, window_bounds = array<i64: 128, 128>}, {transform_indices = @transform_6, window_bounds = array<i64: 8, 1000, 16>}, {transform_indices = @transform_7, window_bounds = array<i64: 1000, 128>}]} {
    %get3A = arith.constant 0 : index
    %get3A_0 = arith.constant 0 : index
    %get3A_1 = vector.load %arg2[%get3A, %get3A_0] : memref<1000x1xf32, #tpu.memory_space<vmem>>, vector<1000x1xf32>
    %max3A = arith.constant 1.000000e+00 : f32
    %max3A_2 = vector.broadcast %max3A : f32 to vector<1000x1xf32>
    %max3A_3 = arith.maximumf %get3A_1, %max3A_2 : vector<1000x1xf32>
    %div3A = arith.constant 1.000000e+00 : f32
    %div3A_4 = vector.broadcast %div3A : f32 to vector<1000x1xf32>
    %div3A_5 = arith.divf %div3A_4, %max3A_3 : vector<1000x1xf32>
    %get3A_6 = arith.constant 0 : index
    %get3A_7 = arith.constant 0 : index
    %get3A_8 = arith.constant 0 : index
    %get3A_9 = arith.constant 0 : index
    %get3A_10 = vector.load %arg1[%get3A_6, %get3A_7, %get3A_8, %get3A_9] : memref<2x8x1000x16xf32, #tpu.memory_space<vmem>>, vector<2x8x1000x16xf32>
    %slice3A = vector.extract_strided_slice %get3A_10 {offsets = [0, 0, 0, 0], sizes = [1, 1, 1000, 16], strides = [1, 1, 1, 1]} : vector<2x8x1000x16xf32> to vector<1x1x1000x16xf32>
    %squeeze3A = vector.shape_cast %slice3A : vector<1x1x1000x16xf32> to vector<1000x16xf32>
    %slice3A_11 = vector.extract_strided_slice %get3A_10 {offsets = [1, 0, 0, 0], sizes = [1, 1, 1000, 16], strides = [1, 1, 1, 1]} : vector<2x8x1000x16xf32> to vector<1x1x1000x16xf32>
    %squeeze3A_12 = vector.shape_cast %slice3A_11 : vector<1x1x1000x16xf32> to vector<1000x16xf32>
    %add3A = arith.addf %squeeze3A, %squeeze3A_12 : vector<1000x16xf32>
    %mul3A = vector.broadcast %div3A_5 : vector<1000x1xf32> to vector<1000x16xf32>
    %mul3A_13 = arith.mulf %add3A, %mul3A : vector<1000x16xf32>
    %get3A_14 = arith.constant 0 : index
    %get3A_15 = arith.constant 0 : index
    %get3A_16 = vector.load %arg4[%get3A_14, %get3A_15] : memref<128x128xf32, #tpu.memory_space<vmem>>, vector<16x128xf32>
    %dot_general3A = arith.constant dense<0.000000e+00> : vector<1000x128xf32>
    %dot_general3A_17 = tpu.matmul %mul3A_13, %get3A_16, %dot_general3A {dimension_numbers = #tpu.dot_dimension_numbers<[1], [0], [0], [1], [0, 0, 1, 1], [], []>, precision = #tpu.contract_precision<fp32>, transpose_lhs_hint = false} : vector<1000x16xf32>, vector<16x128xf32>, vector<1000x128xf32> -> vector<1000x128xf32>
    %slice3A_18 = vector.extract_strided_slice %get3A_10 {offsets = [0, 1, 0, 0], sizes = [1, 1, 1000, 16], strides = [1, 1, 1, 1]} : vector<2x8x1000x16xf32> to vector<1x1x1000x16xf32>
    %squeeze3A_19 = vector.shape_cast %slice3A_18 : vector<1x1x1000x16xf32> to vector<1000x16xf32>
    %slice3A_20 = vector.extract_strided_slice %get3A_10 {offsets = [1, 1, 0, 0], sizes = [1, 1, 1000, 16], strides = [1, 1, 1, 1]} : vector<2x8x1000x16xf32> to vector<1x1x1000x16xf32>
    %squeeze3A_21 = vector.shape_cast %slice3A_20 : vector<1x1x1000x16xf32> to vector<1000x16xf32>
    %add3A_22 = arith.addf %squeeze3A_19, %squeeze3A_21 : vector<1000x16xf32>
    %mul3A_23 = vector.broadcast %div3A_5 : vector<1000x1xf32> to vector<1000x16xf32>
    %mul3A_24 = arith.mulf %add3A_22, %mul3A_23 : vector<1000x16xf32>
    %get3A_25 = arith.constant 16 : index
    %get3A_26 = arith.constant 0 : index
    %get3A_27 = vector.load %arg4[%get3A_25, %get3A_26] : memref<128x128xf32, #tpu.memory_space<vmem>>, vector<16x128xf32>
    %dot_general3A_28 = arith.constant dense<0.000000e+00> : vector<1000x128xf32>
    %dot_general3A_29 = tpu.matmul %mul3A_24, %get3A_27, %dot_general3A_28 {dimension_numbers = #tpu.dot_dimension_numbers<[1], [0], [0], [1], [0, 0, 1, 1], [], []>, precision = #tpu.contract_precision<fp32>, transpose_lhs_hint = false} : vector<1000x16xf32>, vector<16x128xf32>, vector<1000x128xf32> -> vector<1000x128xf32>
    %add3A_30 = arith.addf %dot_general3A_17, %dot_general3A_29 : vector<1000x128xf32>
    %slice3A_31 = vector.extract_strided_slice %get3A_10 {offsets = [0, 2, 0, 0], sizes = [1, 1, 1000, 16], strides = [1, 1, 1, 1]} : vector<2x8x1000x16xf32> to vector<1x1x1000x16xf32>
    %squeeze3A_32 = vector.shape_cast %slice3A_31 : vector<1x1x1000x16xf32> to vector<1000x16xf32>
    %slice3A_33 = vector.extract_strided_slice %get3A_10 {offsets = [1, 2, 0, 0], sizes = [1, 1, 1000, 16], strides = [1, 1, 1, 1]} : vector<2x8x1000x16xf32> to vector<1x1x1000x16xf32>
    %squeeze3A_34 = vector.shape_cast %slice3A_33 : vector<1x1x1000x16xf32> to vector<1000x16xf32>
    %add3A_35 = arith.addf %squeeze3A_32, %squeeze3A_34 : vector<1000x16xf32>
    %mul3A_36 = vector.broadcast %div3A_5 : vector<1000x1xf32> to vector<1000x16xf32>
    %mul3A_37 = arith.mulf %add3A_35, %mul3A_36 : vector<1000x16xf32>
    %get3A_38 = arith.constant 32 : index
    %get3A_39 = arith.constant 0 : index
    %get3A_40 = vector.load %arg4[%get3A_38, %get3A_39] : memref<128x128xf32, #tpu.memory_space<vmem>>, vector<16x128xf32>
    %dot_general3A_41 = arith.constant dense<0.000000e+00> : vector<1000x128xf32>
    %dot_general3A_42 = tpu.matmul %mul3A_37, %get3A_40, %dot_general3A_41 {dimension_numbers = #tpu.dot_dimension_numbers<[1], [0], [0], [1], [0, 0, 1, 1], [], []>, precision = #tpu.contract_precision<fp32>, transpose_lhs_hint = false} : vector<1000x16xf32>, vector<16x128xf32>, vector<1000x128xf32> -> vector<1000x128xf32>
    %add3A_43 = arith.addf %add3A_30, %dot_general3A_42 : vector<1000x128xf32>
    %slice3A_44 = vector.extract_strided_slice %get3A_10 {offsets = [0, 3, 0, 0], sizes = [1, 1, 1000, 16], strides = [1, 1, 1, 1]} : vector<2x8x1000x16xf32> to vector<1x1x1000x16xf32>
    %squeeze3A_45 = vector.shape_cast %slice3A_44 : vector<1x1x1000x16xf32> to vector<1000x16xf32>
    %slice3A_46 = vector.extract_strided_slice %get3A_10 {offsets = [1, 3, 0, 0], sizes = [1, 1, 1000, 16], strides = [1, 1, 1, 1]} : vector<2x8x1000x16xf32> to vector<1x1x1000x16xf32>
    %squeeze3A_47 = vector.shape_cast %slice3A_46 : vector<1x1x1000x16xf32> to vector<1000x16xf32>
    %add3A_48 = arith.addf %squeeze3A_45, %squeeze3A_47 : vector<1000x16xf32>
    %mul3A_49 = vector.broadcast %div3A_5 : vector<1000x1xf32> to vector<1000x16xf32>
    %mul3A_50 = arith.mulf %add3A_48, %mul3A_49 : vector<1000x16xf32>
    %get3A_51 = arith.constant 48 : index
    %get3A_52 = arith.constant 0 : index
    %get3A_53 = vector.load %arg4[%get3A_51, %get3A_52] : memref<128x128xf32, #tpu.memory_space<vmem>>, vector<16x128xf32>
    %dot_general3A_54 = arith.constant dense<0.000000e+00> : vector<1000x128xf32>
    %dot_general3A_55 = tpu.matmul %mul3A_50, %get3A_53, %dot_general3A_54 {dimension_numbers = #tpu.dot_dimension_numbers<[1], [0], [0], [1], [0, 0, 1, 1], [], []>, precision = #tpu.contract_precision<fp32>, transpose_lhs_hint = false} : vector<1000x16xf32>, vector<16x128xf32>, vector<1000x128xf32> -> vector<1000x128xf32>
    %add3A_56 = arith.addf %add3A_43, %dot_general3A_55 : vector<1000x128xf32>
    %slice3A_57 = vector.extract_strided_slice %get3A_10 {offsets = [0, 4, 0, 0], sizes = [1, 1, 1000, 16], strides = [1, 1, 1, 1]} : vector<2x8x1000x16xf32> to vector<1x1x1000x16xf32>
    %squeeze3A_58 = vector.shape_cast %slice3A_57 : vector<1x1x1000x16xf32> to vector<1000x16xf32>
    %slice3A_59 = vector.extract_strided_slice %get3A_10 {offsets = [1, 4, 0, 0], sizes = [1, 1, 1000, 16], strides = [1, 1, 1, 1]} : vector<2x8x1000x16xf32> to vector<1x1x1000x16xf32>
    %squeeze3A_60 = vector.shape_cast %slice3A_59 : vector<1x1x1000x16xf32> to vector<1000x16xf32>
    %add3A_61 = arith.addf %squeeze3A_58, %squeeze3A_60 : vector<1000x16xf32>
    %mul3A_62 = vector.broadcast %div3A_5 : vector<1000x1xf32> to vector<1000x16xf32>
    %mul3A_63 = arith.mulf %add3A_61, %mul3A_62 : vector<1000x16xf32>
    %get3A_64 = arith.constant 64 : index
    %get3A_65 = arith.constant 0 : index
    %get3A_66 = vector.load %arg4[%get3A_64, %get3A_65] : memref<128x128xf32, #tpu.memory_space<vmem>>, vector<16x128xf32>
    %dot_general3A_67 = arith.constant dense<0.000000e+00> : vector<1000x128xf32>
    %dot_general3A_68 = tpu.matmul %mul3A_63, %get3A_66, %dot_general3A_67 {dimension_numbers = #tpu.dot_dimension_numbers<[1], [0], [0], [1], [0, 0, 1, 1], [], []>, precision = #tpu.contract_precision<fp32>, transpose_lhs_hint = false} : vector<1000x16xf32>, vector<16x128xf32>, vector<1000x128xf32> -> vector<1000x128xf32>
    %add3A_69 = arith.addf %add3A_56, %dot_general3A_68 : vector<1000x128xf32>
    %slice3A_70 = vector.extract_strided_slice %get3A_10 {offsets = [0, 5, 0, 0], sizes = [1, 1, 1000, 16], strides = [1, 1, 1, 1]} : vector<2x8x1000x16xf32> to vector<1x1x1000x16xf32>
    %squeeze3A_71 = vector.shape_cast %slice3A_70 : vector<1x1x1000x16xf32> to vector<1000x16xf32>
    %slice3A_72 = vector.extract_strided_slice %get3A_10 {offsets = [1, 5, 0, 0], sizes = [1, 1, 1000, 16], strides = [1, 1, 1, 1]} : vector<2x8x1000x16xf32> to vector<1x1x1000x16xf32>
    %squeeze3A_73 = vector.shape_cast %slice3A_72 : vector<1x1x1000x16xf32> to vector<1000x16xf32>
    %add3A_74 = arith.addf %squeeze3A_71, %squeeze3A_73 : vector<1000x16xf32>
    %mul3A_75 = vector.broadcast %div3A_5 : vector<1000x1xf32> to vector<1000x16xf32>
    %mul3A_76 = arith.mulf %add3A_74, %mul3A_75 : vector<1000x16xf32>
    %get3A_77 = arith.constant 80 : index
    %get3A_78 = arith.constant 0 : index
    %get3A_79 = vector.load %arg4[%get3A_77, %get3A_78] : memref<128x128xf32, #tpu.memory_space<vmem>>, vector<16x128xf32>
    %dot_general3A_80 = arith.constant dense<0.000000e+00> : vector<1000x128xf32>
    %dot_general3A_81 = tpu.matmul %mul3A_76, %get3A_79, %dot_general3A_80 {dimension_numbers = #tpu.dot_dimension_numbers<[1], [0], [0], [1], [0, 0, 1, 1], [], []>, precision = #tpu.contract_precision<fp32>, transpose_lhs_hint = false} : vector<1000x16xf32>, vector<16x128xf32>, vector<1000x128xf32> -> vector<1000x128xf32>
    %add3A_82 = arith.addf %add3A_69, %dot_general3A_81 : vector<1000x128xf32>
    %slice3A_83 = vector.extract_strided_slice %get3A_10 {offsets = [0, 6, 0, 0], sizes = [1, 1, 1000, 16], strides = [1, 1, 1, 1]} : vector<2x8x1000x16xf32> to vector<1x1x1000x16xf32>
    %squeeze3A_84 = vector.shape_cast %slice3A_83 : vector<1x1x1000x16xf32> to vector<1000x16xf32>
    %slice3A_85 = vector.extract_strided_slice %get3A_10 {offsets = [1, 6, 0, 0], sizes = [1, 1, 1000, 16], strides = [1, 1, 1, 1]} : vector<2x8x1000x16xf32> to vector<1x1x1000x16xf32>
    %squeeze3A_86 = vector.shape_cast %slice3A_85 : vector<1x1x1000x16xf32> to vector<1000x16xf32>
    %add3A_87 = arith.addf %squeeze3A_84, %squeeze3A_86 : vector<1000x16xf32>
    %mul3A_88 = vector.broadcast %div3A_5 : vector<1000x1xf32> to vector<1000x16xf32>
    %mul3A_89 = arith.mulf %add3A_87, %mul3A_88 : vector<1000x16xf32>
    %get3A_90 = arith.constant 96 : index
    %get3A_91 = arith.constant 0 : index
    %get3A_92 = vector.load %arg4[%get3A_90, %get3A_91] : memref<128x128xf32, #tpu.memory_space<vmem>>, vector<16x128xf32>
    %dot_general3A_93 = arith.constant dense<0.000000e+00> : vector<1000x128xf32>
    %dot_general3A_94 = tpu.matmul %mul3A_89, %get3A_92, %dot_general3A_93 {dimension_numbers = #tpu.dot_dimension_numbers<[1], [0], [0], [1], [0, 0, 1, 1], [], []>, precision = #tpu.contract_precision<fp32>, transpose_lhs_hint = false} : vector<1000x16xf32>, vector<16x128xf32>, vector<1000x128xf32> -> vector<1000x128xf32>
    %add3A_95 = arith.addf %add3A_82, %dot_general3A_94 : vector<1000x128xf32>
    %slice3A_96 = vector.extract_strided_slice %get3A_10 {offsets = [0, 7, 0, 0], sizes = [1, 1, 1000, 16], strides = [1, 1, 1, 1]} : vector<2x8x1000x16xf32> to vector<1x1x1000x16xf32>
    %squeeze3A_97 = vector.shape_cast %slice3A_96 : vector<1x1x1000x16xf32> to vector<1000x16xf32>
    %slice3A_98 = vector.extract_strided_slice %get3A_10 {offsets = [1, 7, 0, 0], sizes = [1, 1, 1000, 16], strides = [1, 1, 1, 1]} : vector<2x8x1000x16xf32> to vector<1x1x1000x16xf32>
    %squeeze3A_99 = vector.shape_cast %slice3A_98 : vector<1x1x1000x16xf32> to vector<1000x16xf32>
    %add3A_100 = arith.addf %squeeze3A_97, %squeeze3A_99 : vector<1000x16xf32>
    %mul3A_101 = vector.broadcast %div3A_5 : vector<1000x1xf32> to vector<1000x16xf32>
    %mul3A_102 = arith.mulf %add3A_100, %mul3A_101 : vector<1000x16xf32>
    %get3A_103 = arith.constant 112 : index
    %get3A_104 = arith.constant 0 : index
    %get3A_105 = vector.load %arg4[%get3A_103, %get3A_104] : memref<128x128xf32, #tpu.memory_space<vmem>>, vector<16x128xf32>
    %dot_general3A_106 = arith.constant dense<0.000000e+00> : vector<1000x128xf32>
    %dot_general3A_107 = tpu.matmul %mul3A_102, %get3A_105, %dot_general3A_106 {dimension_numbers = #tpu.dot_dimension_numbers<[1], [0], [0], [1], [0, 0, 1, 1], [], []>, precision = #tpu.contract_precision<fp32>, transpose_lhs_hint = false} : vector<1000x16xf32>, vector<16x128xf32>, vector<1000x128xf32> -> vector<1000x128xf32>
    %add3A_108 = arith.addf %add3A_95, %dot_general3A_107 : vector<1000x128xf32>
    %get3A_109 = arith.constant 0 : index
    %get3A_110 = arith.constant 0 : index
    %get3A_111 = vector.load %arg5[%get3A_109, %get3A_110] : memref<1x128xf32, #tpu.memory_space<vmem>>, vector<1x128xf32>
    %add3A_112 = vector.broadcast %get3A_111 : vector<1x128xf32> to vector<1000x128xf32>
    %add3A_113 = arith.addf %add3A_108, %add3A_112 : vector<1000x128xf32>
    %get3A_114 = arith.constant 0 : index
    %get3A_115 = arith.constant 0 : index
    %get3A_116 = vector.load %arg3[%get3A_114, %get3A_115] : memref<1000x128xf32, #tpu.memory_space<vmem>>, vector<1000x128xf32>
    %add3A_117 = arith.addf %add3A_113, %get3A_116 : vector<1000x128xf32>
    %max3A_118 = arith.constant 0.000000e+00 : f32
    %max3A_119 = vector.broadcast %max3A_118 : f32 to vector<1000x128xf32>
    %max3A_120 = arith.maximumf %add3A_117, %max3A_119 : vector<1000x128xf32>
    %slice3A_121 = vector.extract_strided_slice %max3A_120 {offsets = [0, 0], sizes = [1000, 16], strides = [1, 1]} : vector<1000x128xf32> to vector<1000x16xf32>
    %swap3A = arith.constant 0 : index
    %swap3A_122 = arith.constant 0 : index
    %swap3A_123 = arith.constant 0 : index
    %swap3A_124 = vector.load %arg7[%swap3A, %swap3A_122, %swap3A_123] : memref<8x1000x16xf32, #tpu.memory_space<vmem>>, vector<1x1000x16xf32>
    %swap3A_125 = vector.shape_cast %swap3A_124 : vector<1x1000x16xf32> to vector<1000x16xf32>
    %swap3A_126 = vector.shape_cast %slice3A_121 : vector<1000x16xf32> to vector<1x1000x16xf32>
    tpu.vector_store %arg7[%swap3A, %swap3A_122, %swap3A_123], %swap3A_126 {strides = array<i32>} : memref<8x1000x16xf32, #tpu.memory_space<vmem>>, vector<1x1000x16xf32>,
    %slice3A_127 = vector.extract_strided_slice %max3A_120 {offsets = [0, 16], sizes = [1000, 16], strides = [1, 1]} : vector<1000x128xf32> to vector<1000x16xf32>
    %swap3A_128 = arith.constant 1 : index
    %swap3A_129 = arith.constant 0 : index
    %swap3A_130 = arith.constant 0 : index
    %swap3A_131 = vector.load %arg7[%swap3A_128, %swap3A_129, %swap3A_130] : memref<8x1000x16xf32, #tpu.memory_space<vmem>>, vector<1x1000x16xf32>
    %swap3A_132 = vector.shape_cast %swap3A_131 : vector<1x1000x16xf32> to vector<1000x16xf32>
    %swap3A_133 = vector.shape_cast %slice3A_127 : vector<1000x16xf32> to vector<1x1000x16xf32>
    tpu.vector_store %arg7[%swap3A_128, %swap3A_129, %swap3A_130], %swap3A_133 {strides = array<i32>} : memref<8x1000x16xf32, #tpu.memory_space<vmem>>, vector<1x1000x16xf32>,
    %slice3A_134 = vector.extract_strided_slice %max3A_120 {offsets = [0, 32], sizes = [1000, 16], strides = [1, 1]} : vector<1000x128xf32> to vector<1000x16xf32>
    %swap3A_135 = arith.constant 2 : index
    %swap3A_136 = arith.constant 0 : index
    %swap3A_137 = arith.constant 0 : index
    %swap3A_138 = vector.load %arg7[%swap3A_135, %swap3A_136, %swap3A_137] : memref<8x1000x16xf32, #tpu.memory_space<vmem>>, vector<1x1000x16xf32>
    %swap3A_139 = vector.shape_cast %swap3A_138 : vector<1x1000x16xf32> to vector<1000x16xf32>
    %swap3A_140 = vector.shape_cast %slice3A_134 : vector<1000x16xf32> to vector<1x1000x16xf32>
    tpu.vector_store %arg7[%swap3A_135, %swap3A_136, %swap3A_137], %swap3A_140 {strides = array<i32>} : memref<8x1000x16xf32, #tpu.memory_space<vmem>>, vector<1x1000x16xf32>,
    %slice3A_141 = vector.extract_strided_slice %max3A_120 {offsets = [0, 48], sizes = [1000, 16], strides = [1, 1]} : vector<1000x128xf32> to vector<1000x16xf32>
    %swap3A_142 = arith.constant 3 : index
    %swap3A_143 = arith.constant 0 : index
    %swap3A_144 = arith.constant 0 : index
    %swap3A_145 = vector.load %arg7[%swap3A_142, %swap3A_143, %swap3A_144] : memref<8x1000x16xf32, #tpu.memory_space<vmem>>, vector<1x1000x16xf32>
    %swap3A_146 = vector.shape_cast %swap3A_145 : vector<1x1000x16xf32> to vector<1000x16xf32>
    %swap3A_147 = vector.shape_cast %slice3A_141 : vector<1000x16xf32> to vector<1x1000x16xf32>
    tpu.vector_store %arg7[%swap3A_142, %swap3A_143, %swap3A_144], %swap3A_147 {strides = array<i32>} : memref<8x1000x16xf32, #tpu.memory_space<vmem>>, vector<1x1000x16xf32>,
    %slice3A_148 = vector.extract_strided_slice %max3A_120 {offsets = [0, 64], sizes = [1000, 16], strides = [1, 1]} : vector<1000x128xf32> to vector<1000x16xf32>
    %swap3A_149 = arith.constant 4 : index
    %swap3A_150 = arith.constant 0 : index
    %swap3A_151 = arith.constant 0 : index
    %swap3A_152 = vector.load %arg7[%swap3A_149, %swap3A_150, %swap3A_151] : memref<8x1000x16xf32, #tpu.memory_space<vmem>>, vector<1x1000x16xf32>
    %swap3A_153 = vector.shape_cast %swap3A_152 : vector<1x1000x16xf32> to vector<1000x16xf32>
    %swap3A_154 = vector.shape_cast %slice3A_148 : vector<1000x16xf32> to vector<1x1000x16xf32>
    tpu.vector_store %arg7[%swap3A_149, %swap3A_150, %swap3A_151], %swap3A_154 {strides = array<i32>} : memref<8x1000x16xf32, #tpu.memory_space<vmem>>, vector<1x1000x16xf32>,
    %slice3A_155 = vector.extract_strided_slice %max3A_120 {offsets = [0, 80], sizes = [1000, 16], strides = [1, 1]} : vector<1000x128xf32> to vector<1000x16xf32>
    %swap3A_156 = arith.constant 5 : index
    %swap3A_157 = arith.constant 0 : index
    %swap3A_158 = arith.constant 0 : index
    %swap3A_159 = vector.load %arg7[%swap3A_156, %swap3A_157, %swap3A_158] : memref<8x1000x16xf32, #tpu.memory_space<vmem>>, vector<1x1000x16xf32>
    %swap3A_160 = vector.shape_cast %swap3A_159 : vector<1x1000x16xf32> to vector<1000x16xf32>
    %swap3A_161 = vector.shape_cast %slice3A_155 : vector<1000x16xf32> to vector<1x1000x16xf32>
    tpu.vector_store %arg7[%swap3A_156, %swap3A_157, %swap3A_158], %swap3A_161 {strides = array<i32>} : memref<8x1000x16xf32, #tpu.memory_space<vmem>>, vector<1x1000x16xf32>,
    %slice3A_162 = vector.extract_strided_slice %max3A_120 {offsets = [0, 96], sizes = [1000, 16], strides = [1, 1]} : vector<1000x128xf32> to vector<1000x16xf32>
    %swap3A_163 = arith.constant 6 : index
    %swap3A_164 = arith.constant 0 : index
    %swap3A_165 = arith.constant 0 : index
    %swap3A_166 = vector.load %arg7[%swap3A_163, %swap3A_164, %swap3A_165] : memref<8x1000x16xf32, #tpu.memory_space<vmem>>, vector<1x1000x16xf32>
    %swap3A_167 = vector.shape_cast %swap3A_166 : vector<1x1000x16xf32> to vector<1000x16xf32>
    %swap3A_168 = vector.shape_cast %slice3A_162 : vector<1000x16xf32> to vector<1x1000x16xf32>
    tpu.vector_store %arg7[%swap3A_163, %swap3A_164, %swap3A_165], %swap3A_168 {strides = array<i32>} : memref<8x1000x16xf32, #tpu.memory_space<vmem>>, vector<1x1000x16xf32>,
    %slice3A_169 = vector.extract_strided_slice %max3A_120 {offsets = [0, 112], sizes = [1000, 16], strides = [1, 1]} : vector<1000x128xf32> to vector<1000x16xf32>
    %swap3A_170 = arith.constant 7 : index
    %swap3A_171 = arith.constant 0 : index
    %swap3A_172 = arith.constant 0 : index
    %swap3A_173 = vector.load %arg7[%swap3A_170, %swap3A_171, %swap3A_172] : memref<8x1000x16xf32, #tpu.memory_space<vmem>>, vector<1x1000x16xf32>
    %swap3A_174 = vector.shape_cast %swap3A_173 : vector<1x1000x16xf32> to vector<1000x16xf32>
    %swap3A_175 = vector.shape_cast %slice3A_169 : vector<1000x16xf32> to vector<1x1000x16xf32>
    tpu.vector_store %arg7[%swap3A_170, %swap3A_171, %swap3A_172], %swap3A_175 {strides = array<i32>} : memref<8x1000x16xf32, #tpu.memory_space<vmem>>, vector<1x1000x16xf32>,
    %get3A_176 = arith.constant 0 : index
    %get3A_177 = arith.constant 0 : index
    %get3A_178 = vector.load %arg6[%get3A_176, %get3A_177] : memref<128x128xf32, #tpu.memory_space<vmem>>, vector<128x128xf32>
    %dot_general3A_179 = arith.constant dense<0.000000e+00> : vector<1000x128xf32>
    %dot_general3A_180 = tpu.matmul %max3A_120, %get3A_178, %dot_general3A_179 {dimension_numbers = #tpu.dot_dimension_numbers<[1], [0], [0], [1], [0, 0, 1, 1], [], []>, precision = #tpu.contract_precision<fp32>, transpose_lhs_hint = false} : vector<1000x128xf32>, vector<128x128xf32>, vector<1000x128xf32> -> vector<1000x128xf32>
    %swap3A_181 = arith.constant 0 : index
    %swap3A_182 = arith.constant 0 : index
    %swap3A_183 = vector.load %arg8[%swap3A_181, %swap3A_182] : memref<1000x128xf32, #tpu.memory_space<vmem>>, vector<1000x128xf32>
    tpu.vector_store %arg8[%swap3A_181, %swap3A_182], %dot_general3A_180 {strides = array<i32>} : memref<1000x128xf32, #tpu.memory_space<vmem>>, vector<1000x128xf32>,
    return
  }
  func.func @transform_0(%arg0: i32) -> (i32, i32, i32, i32) {
    %c0_i32 = arith.constant 0 : i32
    %c0_i32_0 = arith.constant 0 : i32
    %c0_i32_1 = arith.constant 0 : i32
    %c0_i32_2 = arith.constant 0 : i32
    return %c0_i32, %c0_i32_0, %arg0, %c0_i32_1 : i32, i32, i32, i32
  }
  func.func @transform_1(%arg0: i32) -> (i32, i32) {
    %c0_i32 = arith.constant 0 : i32
    %c0_i32_0 = arith.constant 0 : i32
    return %arg0, %c0_i32 : i32, i32
  }
  func.func @transform_2(%arg0: i32) -> (i32, i32) {
    %c0_i32 = arith.constant 0 : i32
    %c0_i32_0 = arith.constant 0 : i32
    return %arg0, %c0_i32 : i32, i32
  }
  func.func @transform_3(%arg0: i32) -> (i32, i32) {
    %c0_i32 = arith.constant 0 : i32
    %c0_i32_0 = arith.constant 0 : i32
    %c0_i32_1 = arith.constant 0 : i32
    return %c0_i32, %c0_i32_0 : i32, i32
  }
  func.func @transform_4(%arg0: i32) -> (i32, i32) {
    %c0_i32 = arith.constant 0 : i32
    %c0_i32_0 = arith.constant 0 : i32
    %c0_i32_1 = arith.constant 0 : i32
    return %c0_i32, %c0_i32_0 : i32, i32
  }
  func.func @transform_5(%arg0: i32) -> (i32, i32) {
    %c0_i32 = arith.constant 0 : i32
    %c0_i32_0 = arith.constant 0 : i32
    %c0_i32_1 = arith.constant 0 : i32
    return %c0_i32, %c0_i32_0 : i32, i32
  }
  func.func @transform_6(%arg0: i32) -> (i32, i32, i32) {
    %c0_i32 = arith.constant 0 : i32
    %c0_i32_0 = arith.constant 0 : i32
    %c0_i32_1 = arith.constant 0 : i32
    return %c0_i32, %arg0, %c0_i32_0 : i32, i32, i32
  }
  func.func @transform_7(%arg0: i32) -> (i32, i32) {
    %c0_i32 = arith.constant 0 : i32
    %c0_i32_0 = arith.constant 0 : i32
    return %arg0, %c0_i32 : i32, i32
  }
}

module attributes {stable_mosaic.version = 14 : i64} {
  func.func @_comb_dec_body(%arg0: i32, %arg1: memref<2x8x1000x16xf32, #tpu.memory_space<vmem>>, %arg2: memref<1000x1xf32, #tpu.memory_space<vmem>>, %arg3: memref<1000x128xf32, #tpu.memory_space<vmem>>, %arg4: memref<128x128xf32, #tpu.memory_space<vmem>>, %arg5: memref<1x128xf32, #tpu.memory_space<vmem>>, %arg6: memref<128x64xf32, #tpu.memory_space<vmem>>, %arg7: memref<1x64xf32, #tpu.memory_space<vmem>>, %arg8: memref<64x128xf32, #tpu.memory_space<vmem>>, %arg9: memref<1x128xf32, #tpu.memory_space<vmem>>, %arg10: memref<1000x128xf32, #tpu.memory_space<vmem>>) attributes {dimension_semantics = [#tpu.dimension_semantics<arbitrary>], iteration_bounds = array<i64: 10>, scalar_prefetch = 0 : i64, scratch_operands = 0 : i64, tpu.core_type = #tpu.core_type<tc>, window_params = [{transform_indices = @transform_0, window_bounds = array<i64: 2, 8, 1000, 16>}, {transform_indices = @transform_1, window_bounds = array<i64: 1000, 1>}, {transform_indices = @transform_2, window_bounds = array<i64: 1000, 128>}, {pipeline_mode = #tpu.pipeline_mode<synchronous>, transform_indices = @transform_3, window_bounds = array<i64: 128, 128>}, {pipeline_mode = #tpu.pipeline_mode<synchronous>, transform_indices = @transform_4, window_bounds = array<i64: 1, 128>}, {pipeline_mode = #tpu.pipeline_mode<synchronous>, transform_indices = @transform_5, window_bounds = array<i64: 128, 64>}, {pipeline_mode = #tpu.pipeline_mode<synchronous>, transform_indices = @transform_6, window_bounds = array<i64: 1, 64>}, {pipeline_mode = #tpu.pipeline_mode<synchronous>, transform_indices = @transform_7, window_bounds = array<i64: 64, 128>}, {pipeline_mode = #tpu.pipeline_mode<synchronous>, transform_indices = @transform_8, window_bounds = array<i64: 1, 128>}, {transform_indices = @transform_9, window_bounds = array<i64: 1000, 128>}]} {
    %get3A = arith.constant 0 : index
    %get3A_0 = arith.constant 0 : index
    %get3A_1 = vector.load %arg2[%get3A, %get3A_0] : memref<1000x1xf32, #tpu.memory_space<vmem>>, vector<1000x1xf32>
    %max3A = arith.constant 1.000000e+00 : f32
    %max3A_2 = vector.broadcast %max3A : f32 to vector<1000x1xf32>
    %max3A_3 = arith.maximumf %get3A_1, %max3A_2 : vector<1000x1xf32>
    %div3A = arith.constant 1.000000e+00 : f32
    %div3A_4 = vector.broadcast %div3A : f32 to vector<1000x1xf32>
    %div3A_5 = arith.divf %div3A_4, %max3A_3 : vector<1000x1xf32>
    %get3A_6 = arith.constant 0 : index
    %get3A_7 = arith.constant 0 : index
    %get3A_8 = arith.constant 0 : index
    %get3A_9 = arith.constant 0 : index
    %get3A_10 = vector.load %arg1[%get3A_6, %get3A_7, %get3A_8, %get3A_9] : memref<2x8x1000x16xf32, #tpu.memory_space<vmem>>, vector<2x8x1000x16xf32>
    %slice3A = vector.extract_strided_slice %get3A_10 {offsets = [0, 0, 0, 0], sizes = [1, 1, 1000, 16], strides = [1, 1, 1, 1]} : vector<2x8x1000x16xf32> to vector<1x1x1000x16xf32>
    %squeeze3A = vector.shape_cast %slice3A : vector<1x1x1000x16xf32> to vector<1000x16xf32>
    %slice3A_11 = vector.extract_strided_slice %get3A_10 {offsets = [1, 0, 0, 0], sizes = [1, 1, 1000, 16], strides = [1, 1, 1, 1]} : vector<2x8x1000x16xf32> to vector<1x1x1000x16xf32>
    %squeeze3A_12 = vector.shape_cast %slice3A_11 : vector<1x1x1000x16xf32> to vector<1000x16xf32>
    %add3A = arith.addf %squeeze3A, %squeeze3A_12 : vector<1000x16xf32>
    %mul3A = vector.broadcast %div3A_5 : vector<1000x1xf32> to vector<1000x16xf32>
    %mul3A_13 = arith.mulf %add3A, %mul3A : vector<1000x16xf32>
    %get3A_14 = arith.constant 0 : index
    %get3A_15 = arith.constant 0 : index
    %get3A_16 = vector.load %arg4[%get3A_14, %get3A_15] : memref<128x128xf32, #tpu.memory_space<vmem>>, vector<16x128xf32>
    %dot_general3A = arith.constant dense<0.000000e+00> : vector<1000x128xf32>
    %dot_general3A_17 = tpu.matmul %mul3A_13, %get3A_16, %dot_general3A {dimension_numbers = #tpu.dot_dimension_numbers<[1], [0], [0], [1], [0, 0, 1, 1], [], []>, precision = #tpu.contract_precision<fp32>, transpose_lhs_hint = false} : vector<1000x16xf32>, vector<16x128xf32>, vector<1000x128xf32> -> vector<1000x128xf32>
    %slice3A_18 = vector.extract_strided_slice %get3A_10 {offsets = [0, 1, 0, 0], sizes = [1, 1, 1000, 16], strides = [1, 1, 1, 1]} : vector<2x8x1000x16xf32> to vector<1x1x1000x16xf32>
    %squeeze3A_19 = vector.shape_cast %slice3A_18 : vector<1x1x1000x16xf32> to vector<1000x16xf32>
    %slice3A_20 = vector.extract_strided_slice %get3A_10 {offsets = [1, 1, 0, 0], sizes = [1, 1, 1000, 16], strides = [1, 1, 1, 1]} : vector<2x8x1000x16xf32> to vector<1x1x1000x16xf32>
    %squeeze3A_21 = vector.shape_cast %slice3A_20 : vector<1x1x1000x16xf32> to vector<1000x16xf32>
    %add3A_22 = arith.addf %squeeze3A_19, %squeeze3A_21 : vector<1000x16xf32>
    %mul3A_23 = vector.broadcast %div3A_5 : vector<1000x1xf32> to vector<1000x16xf32>
    %mul3A_24 = arith.mulf %add3A_22, %mul3A_23 : vector<1000x16xf32>
    %get3A_25 = arith.constant 16 : index
    %get3A_26 = arith.constant 0 : index
    %get3A_27 = vector.load %arg4[%get3A_25, %get3A_26] : memref<128x128xf32, #tpu.memory_space<vmem>>, vector<16x128xf32>
    %dot_general3A_28 = arith.constant dense<0.000000e+00> : vector<1000x128xf32>
    %dot_general3A_29 = tpu.matmul %mul3A_24, %get3A_27, %dot_general3A_28 {dimension_numbers = #tpu.dot_dimension_numbers<[1], [0], [0], [1], [0, 0, 1, 1], [], []>, precision = #tpu.contract_precision<fp32>, transpose_lhs_hint = false} : vector<1000x16xf32>, vector<16x128xf32>, vector<1000x128xf32> -> vector<1000x128xf32>
    %add3A_30 = arith.addf %dot_general3A_17, %dot_general3A_29 : vector<1000x128xf32>
    %slice3A_31 = vector.extract_strided_slice %get3A_10 {offsets = [0, 2, 0, 0], sizes = [1, 1, 1000, 16], strides = [1, 1, 1, 1]} : vector<2x8x1000x16xf32> to vector<1x1x1000x16xf32>
    %squeeze3A_32 = vector.shape_cast %slice3A_31 : vector<1x1x1000x16xf32> to vector<1000x16xf32>
    %slice3A_33 = vector.extract_strided_slice %get3A_10 {offsets = [1, 2, 0, 0], sizes = [1, 1, 1000, 16], strides = [1, 1, 1, 1]} : vector<2x8x1000x16xf32> to vector<1x1x1000x16xf32>
    %squeeze3A_34 = vector.shape_cast %slice3A_33 : vector<1x1x1000x16xf32> to vector<1000x16xf32>
    %add3A_35 = arith.addf %squeeze3A_32, %squeeze3A_34 : vector<1000x16xf32>
    %mul3A_36 = vector.broadcast %div3A_5 : vector<1000x1xf32> to vector<1000x16xf32>
    %mul3A_37 = arith.mulf %add3A_35, %mul3A_36 : vector<1000x16xf32>
    %get3A_38 = arith.constant 32 : index
    %get3A_39 = arith.constant 0 : index
    %get3A_40 = vector.load %arg4[%get3A_38, %get3A_39] : memref<128x128xf32, #tpu.memory_space<vmem>>, vector<16x128xf32>
    %dot_general3A_41 = arith.constant dense<0.000000e+00> : vector<1000x128xf32>
    %dot_general3A_42 = tpu.matmul %mul3A_37, %get3A_40, %dot_general3A_41 {dimension_numbers = #tpu.dot_dimension_numbers<[1], [0], [0], [1], [0, 0, 1, 1], [], []>, precision = #tpu.contract_precision<fp32>, transpose_lhs_hint = false} : vector<1000x16xf32>, vector<16x128xf32>, vector<1000x128xf32> -> vector<1000x128xf32>
    %add3A_43 = arith.addf %add3A_30, %dot_general3A_42 : vector<1000x128xf32>
    %slice3A_44 = vector.extract_strided_slice %get3A_10 {offsets = [0, 3, 0, 0], sizes = [1, 1, 1000, 16], strides = [1, 1, 1, 1]} : vector<2x8x1000x16xf32> to vector<1x1x1000x16xf32>
    %squeeze3A_45 = vector.shape_cast %slice3A_44 : vector<1x1x1000x16xf32> to vector<1000x16xf32>
    %slice3A_46 = vector.extract_strided_slice %get3A_10 {offsets = [1, 3, 0, 0], sizes = [1, 1, 1000, 16], strides = [1, 1, 1, 1]} : vector<2x8x1000x16xf32> to vector<1x1x1000x16xf32>
    %squeeze3A_47 = vector.shape_cast %slice3A_46 : vector<1x1x1000x16xf32> to vector<1000x16xf32>
    %add3A_48 = arith.addf %squeeze3A_45, %squeeze3A_47 : vector<1000x16xf32>
    %mul3A_49 = vector.broadcast %div3A_5 : vector<1000x1xf32> to vector<1000x16xf32>
    %mul3A_50 = arith.mulf %add3A_48, %mul3A_49 : vector<1000x16xf32>
    %get3A_51 = arith.constant 48 : index
    %get3A_52 = arith.constant 0 : index
    %get3A_53 = vector.load %arg4[%get3A_51, %get3A_52] : memref<128x128xf32, #tpu.memory_space<vmem>>, vector<16x128xf32>
    %dot_general3A_54 = arith.constant dense<0.000000e+00> : vector<1000x128xf32>
    %dot_general3A_55 = tpu.matmul %mul3A_50, %get3A_53, %dot_general3A_54 {dimension_numbers = #tpu.dot_dimension_numbers<[1], [0], [0], [1], [0, 0, 1, 1], [], []>, precision = #tpu.contract_precision<fp32>, transpose_lhs_hint = false} : vector<1000x16xf32>, vector<16x128xf32>, vector<1000x128xf32> -> vector<1000x128xf32>
    %add3A_56 = arith.addf %add3A_43, %dot_general3A_55 : vector<1000x128xf32>
    %slice3A_57 = vector.extract_strided_slice %get3A_10 {offsets = [0, 4, 0, 0], sizes = [1, 1, 1000, 16], strides = [1, 1, 1, 1]} : vector<2x8x1000x16xf32> to vector<1x1x1000x16xf32>
    %squeeze3A_58 = vector.shape_cast %slice3A_57 : vector<1x1x1000x16xf32> to vector<1000x16xf32>
    %slice3A_59 = vector.extract_strided_slice %get3A_10 {offsets = [1, 4, 0, 0], sizes = [1, 1, 1000, 16], strides = [1, 1, 1, 1]} : vector<2x8x1000x16xf32> to vector<1x1x1000x16xf32>
    %squeeze3A_60 = vector.shape_cast %slice3A_59 : vector<1x1x1000x16xf32> to vector<1000x16xf32>
    %add3A_61 = arith.addf %squeeze3A_58, %squeeze3A_60 : vector<1000x16xf32>
    %mul3A_62 = vector.broadcast %div3A_5 : vector<1000x1xf32> to vector<1000x16xf32>
    %mul3A_63 = arith.mulf %add3A_61, %mul3A_62 : vector<1000x16xf32>
    %get3A_64 = arith.constant 64 : index
    %get3A_65 = arith.constant 0 : index
    %get3A_66 = vector.load %arg4[%get3A_64, %get3A_65] : memref<128x128xf32, #tpu.memory_space<vmem>>, vector<16x128xf32>
    %dot_general3A_67 = arith.constant dense<0.000000e+00> : vector<1000x128xf32>
    %dot_general3A_68 = tpu.matmul %mul3A_63, %get3A_66, %dot_general3A_67 {dimension_numbers = #tpu.dot_dimension_numbers<[1], [0], [0], [1], [0, 0, 1, 1], [], []>, precision = #tpu.contract_precision<fp32>, transpose_lhs_hint = false} : vector<1000x16xf32>, vector<16x128xf32>, vector<1000x128xf32> -> vector<1000x128xf32>
    %add3A_69 = arith.addf %add3A_56, %dot_general3A_68 : vector<1000x128xf32>
    %slice3A_70 = vector.extract_strided_slice %get3A_10 {offsets = [0, 5, 0, 0], sizes = [1, 1, 1000, 16], strides = [1, 1, 1, 1]} : vector<2x8x1000x16xf32> to vector<1x1x1000x16xf32>
    %squeeze3A_71 = vector.shape_cast %slice3A_70 : vector<1x1x1000x16xf32> to vector<1000x16xf32>
    %slice3A_72 = vector.extract_strided_slice %get3A_10 {offsets = [1, 5, 0, 0], sizes = [1, 1, 1000, 16], strides = [1, 1, 1, 1]} : vector<2x8x1000x16xf32> to vector<1x1x1000x16xf32>
    %squeeze3A_73 = vector.shape_cast %slice3A_72 : vector<1x1x1000x16xf32> to vector<1000x16xf32>
    %add3A_74 = arith.addf %squeeze3A_71, %squeeze3A_73 : vector<1000x16xf32>
    %mul3A_75 = vector.broadcast %div3A_5 : vector<1000x1xf32> to vector<1000x16xf32>
    %mul3A_76 = arith.mulf %add3A_74, %mul3A_75 : vector<1000x16xf32>
    %get3A_77 = arith.constant 80 : index
    %get3A_78 = arith.constant 0 : index
    %get3A_79 = vector.load %arg4[%get3A_77, %get3A_78] : memref<128x128xf32, #tpu.memory_space<vmem>>, vector<16x128xf32>
    %dot_general3A_80 = arith.constant dense<0.000000e+00> : vector<1000x128xf32>
    %dot_general3A_81 = tpu.matmul %mul3A_76, %get3A_79, %dot_general3A_80 {dimension_numbers = #tpu.dot_dimension_numbers<[1], [0], [0], [1], [0, 0, 1, 1], [], []>, precision = #tpu.contract_precision<fp32>, transpose_lhs_hint = false} : vector<1000x16xf32>, vector<16x128xf32>, vector<1000x128xf32> -> vector<1000x128xf32>
    %add3A_82 = arith.addf %add3A_69, %dot_general3A_81 : vector<1000x128xf32>
    %slice3A_83 = vector.extract_strided_slice %get3A_10 {offsets = [0, 6, 0, 0], sizes = [1, 1, 1000, 16], strides = [1, 1, 1, 1]} : vector<2x8x1000x16xf32> to vector<1x1x1000x16xf32>
    %squeeze3A_84 = vector.shape_cast %slice3A_83 : vector<1x1x1000x16xf32> to vector<1000x16xf32>
    %slice3A_85 = vector.extract_strided_slice %get3A_10 {offsets = [1, 6, 0, 0], sizes = [1, 1, 1000, 16], strides = [1, 1, 1, 1]} : vector<2x8x1000x16xf32> to vector<1x1x1000x16xf32>
    %squeeze3A_86 = vector.shape_cast %slice3A_85 : vector<1x1x1000x16xf32> to vector<1000x16xf32>
    %add3A_87 = arith.addf %squeeze3A_84, %squeeze3A_86 : vector<1000x16xf32>
    %mul3A_88 = vector.broadcast %div3A_5 : vector<1000x1xf32> to vector<1000x16xf32>
    %mul3A_89 = arith.mulf %add3A_87, %mul3A_88 : vector<1000x16xf32>
    %get3A_90 = arith.constant 96 : index
    %get3A_91 = arith.constant 0 : index
    %get3A_92 = vector.load %arg4[%get3A_90, %get3A_91] : memref<128x128xf32, #tpu.memory_space<vmem>>, vector<16x128xf32>
    %dot_general3A_93 = arith.constant dense<0.000000e+00> : vector<1000x128xf32>
    %dot_general3A_94 = tpu.matmul %mul3A_89, %get3A_92, %dot_general3A_93 {dimension_numbers = #tpu.dot_dimension_numbers<[1], [0], [0], [1], [0, 0, 1, 1], [], []>, precision = #tpu.contract_precision<fp32>, transpose_lhs_hint = false} : vector<1000x16xf32>, vector<16x128xf32>, vector<1000x128xf32> -> vector<1000x128xf32>
    %add3A_95 = arith.addf %add3A_82, %dot_general3A_94 : vector<1000x128xf32>
    %slice3A_96 = vector.extract_strided_slice %get3A_10 {offsets = [0, 7, 0, 0], sizes = [1, 1, 1000, 16], strides = [1, 1, 1, 1]} : vector<2x8x1000x16xf32> to vector<1x1x1000x16xf32>
    %squeeze3A_97 = vector.shape_cast %slice3A_96 : vector<1x1x1000x16xf32> to vector<1000x16xf32>
    %slice3A_98 = vector.extract_strided_slice %get3A_10 {offsets = [1, 7, 0, 0], sizes = [1, 1, 1000, 16], strides = [1, 1, 1, 1]} : vector<2x8x1000x16xf32> to vector<1x1x1000x16xf32>
    %squeeze3A_99 = vector.shape_cast %slice3A_98 : vector<1x1x1000x16xf32> to vector<1000x16xf32>
    %add3A_100 = arith.addf %squeeze3A_97, %squeeze3A_99 : vector<1000x16xf32>
    %mul3A_101 = vector.broadcast %div3A_5 : vector<1000x1xf32> to vector<1000x16xf32>
    %mul3A_102 = arith.mulf %add3A_100, %mul3A_101 : vector<1000x16xf32>
    %get3A_103 = arith.constant 112 : index
    %get3A_104 = arith.constant 0 : index
    %get3A_105 = vector.load %arg4[%get3A_103, %get3A_104] : memref<128x128xf32, #tpu.memory_space<vmem>>, vector<16x128xf32>
    %dot_general3A_106 = arith.constant dense<0.000000e+00> : vector<1000x128xf32>
    %dot_general3A_107 = tpu.matmul %mul3A_102, %get3A_105, %dot_general3A_106 {dimension_numbers = #tpu.dot_dimension_numbers<[1], [0], [0], [1], [0, 0, 1, 1], [], []>, precision = #tpu.contract_precision<fp32>, transpose_lhs_hint = false} : vector<1000x16xf32>, vector<16x128xf32>, vector<1000x128xf32> -> vector<1000x128xf32>
    %add3A_108 = arith.addf %add3A_95, %dot_general3A_107 : vector<1000x128xf32>
    %get3A_109 = arith.constant 0 : index
    %get3A_110 = arith.constant 0 : index
    %get3A_111 = vector.load %arg5[%get3A_109, %get3A_110] : memref<1x128xf32, #tpu.memory_space<vmem>>, vector<1x128xf32>
    %add3A_112 = vector.broadcast %get3A_111 : vector<1x128xf32> to vector<1000x128xf32>
    %add3A_113 = arith.addf %add3A_108, %add3A_112 : vector<1000x128xf32>
    %get3A_114 = arith.constant 0 : index
    %get3A_115 = arith.constant 0 : index
    %get3A_116 = vector.load %arg3[%get3A_114, %get3A_115] : memref<1000x128xf32, #tpu.memory_space<vmem>>, vector<1000x128xf32>
    %add3A_117 = arith.addf %add3A_113, %get3A_116 : vector<1000x128xf32>
    %max3A_118 = arith.constant 0.000000e+00 : f32
    %max3A_119 = vector.broadcast %max3A_118 : f32 to vector<1000x128xf32>
    %max3A_120 = arith.maximumf %add3A_117, %max3A_119 : vector<1000x128xf32>
    %get3A_121 = arith.constant 0 : index
    %get3A_122 = arith.constant 0 : index
    %get3A_123 = vector.load %arg6[%get3A_121, %get3A_122] : memref<128x64xf32, #tpu.memory_space<vmem>>, vector<128x64xf32>
    %dot_general3A_124 = arith.constant dense<0.000000e+00> : vector<1000x64xf32>
    %dot_general3A_125 = tpu.matmul %max3A_120, %get3A_123, %dot_general3A_124 {dimension_numbers = #tpu.dot_dimension_numbers<[1], [0], [0], [1], [0, 0, 1, 1], [], []>, precision = #tpu.contract_precision<fp32>, transpose_lhs_hint = false} : vector<1000x128xf32>, vector<128x64xf32>, vector<1000x64xf32> -> vector<1000x64xf32>
    %get3A_126 = arith.constant 0 : index
    %get3A_127 = arith.constant 0 : index
    %get3A_128 = vector.load %arg7[%get3A_126, %get3A_127] : memref<1x64xf32, #tpu.memory_space<vmem>>, vector<1x64xf32>
    %add3A_129 = vector.broadcast %get3A_128 : vector<1x64xf32> to vector<1000x64xf32>
    %add3A_130 = arith.addf %dot_general3A_125, %add3A_129 : vector<1000x64xf32>
    %max3A_131 = arith.constant 0.000000e+00 : f32
    %max3A_132 = vector.broadcast %max3A_131 : f32 to vector<1000x64xf32>
    %max3A_133 = arith.maximumf %add3A_130, %max3A_132 : vector<1000x64xf32>
    %get3A_134 = arith.constant 0 : index
    %get3A_135 = arith.constant 0 : index
    %get3A_136 = vector.load %arg8[%get3A_134, %get3A_135] : memref<64x128xf32, #tpu.memory_space<vmem>>, vector<64x128xf32>
    %dot_general3A_137 = arith.constant dense<0.000000e+00> : vector<1000x128xf32>
    %dot_general3A_138 = tpu.matmul %max3A_133, %get3A_136, %dot_general3A_137 {dimension_numbers = #tpu.dot_dimension_numbers<[1], [0], [0], [1], [0, 0, 1, 1], [], []>, precision = #tpu.contract_precision<fp32>, transpose_lhs_hint = false} : vector<1000x64xf32>, vector<64x128xf32>, vector<1000x128xf32> -> vector<1000x128xf32>
    %get3A_139 = arith.constant 0 : index
    %get3A_140 = arith.constant 0 : index
    %get3A_141 = vector.load %arg9[%get3A_139, %get3A_140] : memref<1x128xf32, #tpu.memory_space<vmem>>, vector<1x128xf32>
    %add3A_142 = vector.broadcast %get3A_141 : vector<1x128xf32> to vector<1000x128xf32>
    %add3A_143 = arith.addf %dot_general3A_138, %add3A_142 : vector<1000x128xf32>
    %swap3A = arith.constant 0 : index
    %swap3A_144 = arith.constant 0 : index
    %swap3A_145 = vector.load %arg10[%swap3A, %swap3A_144] : memref<1000x128xf32, #tpu.memory_space<vmem>>, vector<1000x128xf32>
    tpu.vector_store %arg10[%swap3A, %swap3A_144], %add3A_143 {strides = array<i32>} : memref<1000x128xf32, #tpu.memory_space<vmem>>, vector<1000x128xf32>,
    return
  }
  func.func @transform_0(%arg0: i32) -> (i32, i32, i32, i32) {
    %c0_i32 = arith.constant 0 : i32
    %c0_i32_0 = arith.constant 0 : i32
    %c0_i32_1 = arith.constant 0 : i32
    %c0_i32_2 = arith.constant 0 : i32
    return %c0_i32, %c0_i32_0, %arg0, %c0_i32_1 : i32, i32, i32, i32
  }
  func.func @transform_1(%arg0: i32) -> (i32, i32) {
    %c0_i32 = arith.constant 0 : i32
    %c0_i32_0 = arith.constant 0 : i32
    return %arg0, %c0_i32 : i32, i32
  }
  func.func @transform_2(%arg0: i32) -> (i32, i32) {
    %c0_i32 = arith.constant 0 : i32
    %c0_i32_0 = arith.constant 0 : i32
    return %arg0, %c0_i32 : i32, i32
  }
  func.func @transform_3(%arg0: i32) -> (i32, i32) {
    %c0_i32 = arith.constant 0 : i32
    %c0_i32_0 = arith.constant 0 : i32
    %c0_i32_1 = arith.constant 0 : i32
    return %c0_i32, %c0_i32_0 : i32, i32
  }
  func.func @transform_4(%arg0: i32) -> (i32, i32) {
    %c0_i32 = arith.constant 0 : i32
    %c0_i32_0 = arith.constant 0 : i32
    %c0_i32_1 = arith.constant 0 : i32
    return %c0_i32, %c0_i32_0 : i32, i32
  }
  func.func @transform_5(%arg0: i32) -> (i32, i32) {
    %c0_i32 = arith.constant 0 : i32
    %c0_i32_0 = arith.constant 0 : i32
    %c0_i32_1 = arith.constant 0 : i32
    return %c0_i32, %c0_i32_0 : i32, i32
  }
  func.func @transform_6(%arg0: i32) -> (i32, i32) {
    %c0_i32 = arith.constant 0 : i32
    %c0_i32_0 = arith.constant 0 : i32
    %c0_i32_1 = arith.constant 0 : i32
    return %c0_i32, %c0_i32_0 : i32, i32
  }
  func.func @transform_7(%arg0: i32) -> (i32, i32) {
    %c0_i32 = arith.constant 0 : i32
    %c0_i32_0 = arith.constant 0 : i32
    %c0_i32_1 = arith.constant 0 : i32
    return %c0_i32, %c0_i32_0 : i32, i32
  }
  func.func @transform_8(%arg0: i32) -> (i32, i32) {
    %c0_i32 = arith.constant 0 : i32
    %c0_i32_0 = arith.constant 0 : i32
    %c0_i32_1 = arith.constant 0 : i32
    return %c0_i32, %c0_i32_0 : i32, i32
  }
  func.func @transform_9(%arg0: i32) -> (i32, i32) {
    %c0_i32 = arith.constant 0 : i32
    %c0_i32_0 = arith.constant 0 : i32
    return %arg0, %c0_i32 : i32, i32
  }
}

</mosaic_0001>

<sc_bundles>
// kernel: kernel.11.cloned.1.call-start
scs
__scs_entry_jumppad:
0x0: {  	(pc) =	sbr.rel $0x88, $3  }
0x1: {  	(tag) =	ssettag $0x0;
	lr =	simm.s32 $0x1  }
0x2: {  	[smem:$0x3F91] =	sst lr;
	_ =	strace $0xD0000000  }
0x3: {  	_ = 	snop  }
0x4: {  	_ = 	snop  }
0x5: {  	_ = 	snop  }
0x6: {  	_ = 	snop  }
0x7: {  	_ = 	snop  }
__scs_overlays_trampoline_lowered:
0x8: {  	[smem:$0x3FA0] =	sst s0  }
0x9: {  	[smem:$0x3FA1] =	sst s1  }
0xa: {  	[smem:$0x3FA2] =	sst s2  }
0xb: {  	[smem:$0x3FA3] =	sst s3  }
0xc: {  	[smem:$0x3FA4] =	sst s4  }
0xd: {  	[smem:$0x3FA5] =	sst s5  }
0xe: {  	[smem:$0x3FA6] =	sst s6  }
0xf: {  	[smem:$0x3FA7] =	sst s7  }
0x10: {  	[smem:$0x3FA8] =	sst s8  }
0x11: {  	[smem:$0x3FA9] =	sst s9;
	s0 =	simm.s32 @!p0 $0x0  }
0x12: {  	s1 =	sld [smem:$0x3F8F];
	s0 =	simm.s32 @p0 $0x1  }
0x13: {  	[smem:$0x3FAA] =	sst s0;
	s0 =	simm.s32 @!p1 $0x0  }
0x14: {  	s2 =	sld [smem:$0x3F8E];
	s0 =	simm.s32 @p1 $0x1  }
0x15: {  	[smem:$0x3FAB] =	sst s0;
	s0 =	simm.s32 @!p2 $0x0  }
0x16: {  	s3 =	sld [smem:$0x3FDB];
	s0 =	simm.s32 @p2 $0x1  }
0x17: {  	s4 =	simm.s32 $0x1BF5;
	[smem:$0x3FAD] =	sst s0  }
0x18: {  	s0 =	sld [smem:$0x3F90];
	_ =	swait.ge [sflag:s4], $0x0  }
0x19: {  	s7 =	sld [smem:$0x3F91]  }
0x1a: {  	s8 =	sadd.s32 $0xFFFFE003, lr  }
0x1b: {  	s9 =	sadd.s32 $0xFFFFFEF7, lr;
	s5 =	simm.s32 $0xFFFFFFFF;
	p2 =	slt.u32 s8, $0xFFFFF086  }
0x1c: {  	p1 =	slt.u32 s9, $0xF7A;
	s5 =	simm.s32 @!p2 $0x0  }
0x1d: {  	s5 =	simm.s32 @p1 $0x1;
	p0 =	seq.s32 s7, s2  }
0x1e: {  	s7 =	smul.u32 @!p0 $0xF7A, s2;
	p2 =	seq.s32 @!p0 s5, $0x0  }
0x1f: {  	s9 =	smul.u32 $0xF7A, s1;
	s8 =	simm.s32 @!p0 $0x1BF5;
	p2 =	por !p2, p0  }
0x20: {  	[sflag:s8] =	ssyncset.s32 @!p0 $0xFFFFF086;
	s6 =	sadd.s32 @!p0 s3, s7;
	s7 =	simm.s32 @!p0 $0x108  }
0x21: {  	s3 =	sadd.s32 s3, s9;
	s6 =	sadd.s32 @!p0 $0x88, s6;
	s7 =	simm.s32 @p2 $0x1082  }
0x22: {  	[simem:s7], [sflag:s8] =	dma.local @!p0 [hbm:s6], $0xF7A  }
0x23: {  	s9 =	sor.u32 $0xD0000000, s2;
	s6 =	simm.s32 $0x108;
	_ =	swait.ge @!p0 [sflag:s8], $0x0  }
0x24: {  	s3 =	sadd.s32 $0x88, s3;
	s6 =	simm.s32 @!p1 $0x1082;
	[sflag:s4] =	ssyncset.s32 $0xFFFFF086  }
0x25: {  	[simem:s6], [sflag:s4] =	dma.local [hbm:s3], $0xF7A  }
0x26: {  	[smem:$0x3F91] =	sst s1;
	(tag) =	ssettag s2;
	_ =	strace s9  }
0x27: {  	s1 =	sld [smem:$0x3FA1]  }
0x28: {  	s2 =	sld [smem:$0x3FA2]  }
0x29: {  	s4 =	sld [smem:$0x3FA4]  }
0x2a: {  	p0 =	seq.s32 s5, $0x0;
	s5 =	sld [smem:$0x3FA5]  }
0x2b: {  	s6 =	sld [smem:$0x3FA6]  }
0x2c: {  	s7 =	sld [smem:$0x3FA7]  }
0x2d: {  	s3 =	simm.s32 $0x108;
	s8 =	sld [smem:$0x3FA8]  }
0x2e: {  	s3 =	simm.s32 @!p0 $0x1082;
	s9 =	sld [smem:$0x3FA9]  }
0x2f: {  	lr =	sadd.s32 s0, s3;
	s0 =	sld [smem:$0x3FA0]  }
0x30: {  	s3 =	sld [smem:$0x3FA3]  }
0x31: {  	[smem:$0x3FAC] =	sst s10  }
0x32: {  	s10 =	sld [smem:$0x3FAA];
	_ =	sdelay $0x3  }
0x33: {  	p0 =	seq.s32 s10, $0x1;
	s10 =	sld [smem:$0x3FAC];
	_ =	sdelay $0x3  }
0x34: {  	[smem:$0x3FAC] =	sst s10  }
0x35: {  	s10 =	sld [smem:$0x3FAB];
	_ =	sdelay $0x3  }
0x36: {  	p1 =	seq.s32 s10, $0x1;
	s10 =	sld [smem:$0x3FAC];
	_ =	sdelay $0x3  }
0x37: {  	[smem:$0x3FAC] =	sst s10  }
0x38: {  	s10 =	sld [smem:$0x3FAD]  }
0x39: {  	_ = 	snop;
	(pc) =	sbr.ind lr, $3  }
0x3a: {  	_ = 	snop  }
0x3b: {  	_ = 	snop  }
0x3c: {  	p2 =	seq.s32 s10, $0x1;
	s10 =	sld [smem:$0x3FAC]  }
0x3d: {  	_ =	shalt  }
0x3e: {  	_ =	shalt  }
0x3f: {  	_ =	shalt  }
0x40: {  	_ =	shalt  }
0x41: {  	_ =	shalt  }
0x42: {  	_ =	shalt  }
0x43: {  	_ =	shalt  }
0x44: {  	_ =	shalt  }
0x45: {  	_ =	shalt  }
0x46: {  	_ =	shalt  }
0x47: {  	_ =	shalt  }
0x48: {  	_ =	shalt  }
0x49: {  	_ =	shalt  }
0x4a: {  	_ =	shalt  }
0x4b: {  	_ =	shalt  }
0x4c: {  	_ =	shalt  }
0x4d: {  	_ =	shalt  }
0x4e: {  	_ =	shalt  }
0x4f: {  	_ =	shalt  }
0x50: {  	_ =	shalt  }
0x51: {  	_ =	shalt  }
0x52: {  	_ =	shalt  }
0x53: {  	_ =	shalt  }
0x54: {  	_ =	shalt  }
0x55: {  	_ =	shalt  }
0x56: {  	_ =	shalt  }
0x57: {  	_ =	shalt  }
0x58: {  	_ =	shalt  }
0x59: {  	_ =	shalt  }
0x5a: {  	_ =	shalt  }
0x5b: {  	_ =	shalt  }
0x5c: {  	_ =	shalt  }
0x5d: {  	_ =	shalt  }
0x5e: {  	_ =	shalt  }
0x5f: {  	_ =	shalt  }
0x60: {  	_ =	shalt  }
0x61: {  	_ =	shalt  }
0x62: {  	_ =	shalt  }
0x63: {  	_ =	shalt  }
0x64: {  	_ =	shalt  }
0x65: {  	_ =	shalt  }
0x66: {  	_ =	shalt  }
0x67: {  	_ =	shalt  }
0x68: {  	_ =	shalt  }
0x69: {  	_ =	shalt  }
0x6a: {  	_ =	shalt  }
0x6b: {  	_ =	shalt  }
0x6c: {  	_ =	shalt  }
0x6d: {  	_ =	shalt  }
0x6e: {  	_ =	shalt  }
0x6f: {  	_ =	shalt  }
0x70: {  	_ =	shalt  }
0x71: {  	_ =	shalt  }
0x72: {  	_ =	shalt  }
0x73: {  	_ =	shalt  }
0x74: {  	_ =	shalt  }
0x75: {  	_ =	shalt  }
0x76: {  	_ =	shalt  }
0x77: {  	_ =	shalt  }
0x78: {  	_ =	shalt  }
0x79: {  	_ =	shalt  }
0x7a: {  	_ =	shalt  }
0x7b: {  	_ =	shalt  }
0x7c: {  	_ =	shalt  }
0x7d: {  	_ =	shalt  }
0x7e: {  	_ =	shalt  }
0x7f: {  	_ =	shalt  }
0x80: {  	_ =	shalt  }
0x81: {  	_ =	shalt  }
0x82: {  	_ =	shalt  }
0x83: {  	_ =	shalt  }
0x84: {  	_ =	shalt  }
0x85: {  	_ =	shalt  }
0x86: {  	_ =	shalt  }
0x87: {  	_ =	shalt  }
.Lfunc_end0:
.L_simem_size_0:
called_computation.1_lowered:
.L_overlay_start_0:
0x88: {  	s2 =	sld [smem:$0x3FD9]  }
0x89: {  	s3 =	sld [smem:$0x3FFE];
	_ =	sdelay $0x1  }
0x8a: {  	s1 =	srdreg.scid  }
0x8b: {  	s0 =	sand.u32 $0x1, s1  }
0x8c: {  	s17 =	sshll.u32 s0, $0xA;
	s2 =	sadd.s32 s3, s2  }
0x8d: {  	s2 =	sadd.s32 s2, s17  }
0x8e: {  	[smem:$0x3FB8] =	sst s2  }
0x8f: {  	_ = 	snop  }
0x90: {  	s2 =	sld [smem:$0x3FD0];
	(tm) =	ssettm $0x1  }
0x91: {  	s18 =	sld [smem:$0x3FFB];
	_ =	sdelay $0x3  }
0x92: {  	_ =	strace s18  }
0x93: {  	s3 =	sld [smem:$0x3FFC];
	_ =	sdelay $0x3  }
0x94: {  	_ =	strace s3  }
0x95: {  	s3 =	sld [smem:$0x3FFD];
	_ =	sdelay $0x3  }
0x96: {  	_ =	strace s3  }
0x97: {  	_ =	strace $0x8FFFFFFF  }
0x98: {  	s19 =	sld [smem:$0x3FDB];
	_ =	sdelay $0x1  }
0x99: {  	s4 =	simm.s32 $_scs_section_size  }
0x9a: {  	s5 =	simm.s32 $_size__tile_overlayer_lowered;
	s6 =	simm.s32 $_tile_overlayer_lowered  }
0x9b: {  	s22 =	simm.s32 $0x1BFF;
	s21 =	sshll.u32 s6, $0x1;
	s3 =	sadd.s32 s4, s19  }
0x9c: {  	s7 =	simm.s32 $0x0;
	s20 =	sshll.u32 s5, $0x1;
	s5 =	sadd.s32 s21, s3  }
0x9d: {  	[timem:s7], [sflag:s22] =	dma.local [hbm:s5], s20  }
0x9e: {  	_ =	swait.ge [sflag:s22], s20  }
0x9f: {  	s4 =	ssub.s32 $0x0, s20;
	[sflag:s22] =	ssyncset.done $0x0  }
0xa0: {  	[sflag:s22] =	ssyncadd.s32 s4;
	_ =	sdelay $0x1  }
0xa1: {  	s23 =	simm.s32 $0x1B8B  }
0xa2: {  	_ =	swait.ge [sflag:s23], $0x1  }
0xa3: {  	[sflag:s23] =	ssyncset.done $0x0  }
0xa4: {  	s25 =	simm.s32 $0x1B8E;
	s24 =	sld [smem:$0x3FFE];
	[sflag:s23] =	ssyncadd.s32 $0xFFFFFFFF  }
0xa5: {  	s26 =	simm.s32 $execute0_lowered;
	[smem:$0x3FD2] =	sst s25  }
0xa6: {  	s5 =	sshll.u32 s26, $0x1;
	_ =	strace $0x80000049;
	[dreg:$0x1] =	wrdreg $0xFFFFFFFF  }
0xa7: {  	s28 =	simm.s32 $_size_execute0_lowered;
	s3 =	sadd.s32 s3, s5;
	[dreg:$0x0] =	wrdreg $0x0  }
0xa8: {  	s5 =	sshll.u32 s28, $0x1;
	[dreg:$0x2] =	wrdreg s3  }
0xa9: {  	[dreg:$0x3] =	wrdreg s5  }
0xaa: {  	[dreg:$0x4] =	wrdreg $0xC0  }
0xab: {  	_ =	task [dreg:s7], $0x5FFFF  }
0xac: {  	[dreg:$0x1] =	wrdreg $0xFFFFFFFF  }
0xad: {  	[dreg:$0x0] =	wrdreg $0x60  }
0xae: {  	[dreg:$0x2] =	wrdreg s2  }
0xaf: {  	[dreg:$0x3] =	wrdreg s24  }
0xb0: {  	[dreg:$0x4] =	wrdreg $0xCC800  }
0xb1: {  	[dreg:$0x5] =	wrdreg $0x9  }
0xb2: {  	_ =	task.clear_ibuf [dreg:s7], $0x6FFFF;
	_ =	strace $0x90000049  }
0xb3: {  	s29 =	simm.s32 $0x9;
	_ =	strace $0x8000004B  }
0xb4: {  	_ =	swait.ge [sflag:s29], $0x1  }
0xb5: {  	[sflag:s29] =	ssyncadd.s32 $0xFFFFFFFF  }
0xb6: {  	_ =	strace $0x9000004B  }
0xb7: {  	_ =	sfence  }
0xb8: {  	s30 =	sld [smem:$0x0];
	_ =	sdelay $0x2  }
0xb9: {  	s31 =	sshll.u32 s1, $0xD;
	s1 =	sshrl.u32 s1, $0x2  }
0xba: {  	s3 =	sand.u32 $0x4000, s31;
	s1 =	sadd.s32 s1, s30  }
0xbb: {  	s0 =	sor.u32 s3, s0;
	s1 =	sshll.u32 s1, $0x11  }
0xbc: {  	s0 =	sor.u32 s1, s0  }
0xbd: {  	s0 =	sadd.s32 $0x8F2B, s0  }
0xbe: {  	[sflag:s0] =	ssyncadd.remote.s32 $0x1  }
0xbf: {  	_ =	sfence.sel $0xFFFF  }
0xc0: {  	[dreg:$0x0] =	wrdreg $0xFFFFFFFF;
	(pc) =	sbr.abs _section_cstart, $3  }
0xc1: {  	[dreg:$0x1] =	wrdreg $0xFFFFFFFF  }
0xc2: {  	_ =	task.clear_ibuf [dreg:s7], $0x2FFFF;
	_ =	strace $0x9FFFFFFF  }
0xc3: {  	(tm) =	ssettm $0x7FFFFFFF  }
tec
execute0_lowered:
.L_overlay_start_1:
0x0: {  	(tag) =	ssettag $0x1  }
0x1: {  	s0 =	rddreg [dreg:$0x0]  }
0x2: {  	s8 =	rddreg [dreg:$0x1]  }
0x3: {  	s1 =	srdreg.scid;
	s3 =	rddreg [dreg:$0x2]  }
0x4: {  	s2 =	stileid.u32;
	s4 =	simm.s32 $0x0;
	s17 =	simm.s32 $0x80  }
0x5: {  	s18 =	simm.s32 $0x9D00;
	s19 =	simm.s32 $0x1;
	s20 =	simm.s32 $0xA500  }
0x6: {  	s21 =	simm.s32 $0x0;
	s9 =	sand.u32 $0x1, s1;
	s1 =	rddreg [dreg:$0x3]  }
0x7: {  	[smem:$0x7FF] =	sst s4;
	s6 =	sadd.s32 $0x3A00, s8;
	s7 =	sadd.s32 $0xB4400, s8  }
0x8: {  	s14 =	smul.u32 $0x2780, s2;
	s31 =	sshll.u32 s2, $0x6;
	s5 =	sshll.u32 s9, $0x4  }
0x9: {  	s12 =	smul.u32 $0x27800, s9;
	s9 =	ssub.s32 $0x2, s9;
	s10 =	sor.u32 s2, s5  }
0xa: {  	_ =	strace $0x8000004A;
	s13 =	sshrl.u32 s9, $0x1;
	s5 =	smul.u32 $0x9D0, s10  }
0xb: {  	s16 =	sadd.s32 s14, s3;
	s10 =	smul.u32 $0x4F0, s10;
	s12 =	sadd.s32 s12, s8  }
0xc: {  	s13 =	ssub.s32 s9, s13;
	s16 =	sshrl.u32 s16, $0x3;
	s9 =	sadd.s32 $0xBE800, s12  }
0xd: {  	s12 =	smax.u32 s13, $0x1;
	s13 =	simm.s32 $0x4E80;
	s11 =	sadd.s32 s5, s8  }
0xe: {  	s15 =	sadd.s32 s10, s8;
	s10 =	sshrl.u32 s14, $0x3;
	s14 =	simm.s32 $0x2  }
0xf: {  	v0 =	vimm.f32 $0.0e+00;
	s8 =	sadd.s32 $0xA0A00, s11;
	s11 =	sadd.s32 $0xB4A00, s15;
	s15 =	sor.u32 $0x1C02, s31  }
.LBB2_1:
0x10: {  	[tilespmem:s13], [sflag:$0x2] =	stream.linear.gather [hbm4b:s8+s4], $0x4E80, $0x38;
	[tilespmem:$0xF400] =	vst v63  }
0x11: {  	_ =	swait.ge [sflag:s14], $0x4E80  }
0x12: {  	[sflag:s14] =	ssyncset.done $0x0  }
0x13: {  	s22 =	simm.s32 $0x40;
	s23 =	simm.s32 $0x0;
	[sflag:s14] =	ssyncadd.s32 $0xFFFFB180  }
.LBB2_2:
0x14: {  	p0 =	seq.s32 s22, $0x9DC0;
	[tilespmem:s23+$0xA500] =	vst v0;
	s23 =	smov.u32 s22;
	s22 =	sadd.s32 $0x40, s22  }
.Ltmp0:
0x15: {  	(pc) =	sbr.rel @!p0 .LBB2_2-.Ltmp0, $2  }
0x16: {  	_ =	sdelay $0x2  }
0x17: {  	s23 =	sshra.s32 s23, $0x2  }
0x18: {  	[tilespmem:s23+$0xA500] =	vst v0;
	s22 =	simm.s32 $0x0;
	s23 =	simm.s32 $0x0  }
.LBB2_4:
0x19: {  	[spmem:s16], [sflag:s15] =	dma.local [hbm:s7], $0x4F0  }
0x1a: {  	s24 =	smul.u32 $0x13A00, s23  }
0x1b: {  	_ =	swait.ge [sflag:s14], $0x4F0  }
0x1c: {  	[sflag:s14] =	ssyncset.done $0x0;
	s24 =	sadd.s32 s6, s24  }
0x1d: {  	[sflag:s14] =	ssyncadd.s32 $0xFFFFFB10;
	s24 =	sadd.s32 s5, s24  }
0x1e: {  	[tilespmem:s22], [sflag:$0x2] =	stream.linear.gather [hbm4b:s24+s22], $0x4E80, $0x38;
	[tilespmem:$0xF400] =	vst v63  }
0x1f: {  	_ =	swait.ge [sflag:s14], $0x4E80  }
0x20: {  	[sflag:s14] =	ssyncset.done $0x0  }
0x21: {  	[sflag:s14] =	ssyncadd.s32 $0xFFFFB180  }
0x22: {  	p0 =	sne.s32 s23, $0x0;
	s24 =	simm.s32 $0x0;
	[bflag:$0x0] =	sbarrier.arrive $0xFFFF  }
.LBB2_5:
0x23: {  	s25 =	sshra.s32 s24, $0x2  }
0x24: {  	[tilespmem:s18], [sflag:$0x1] =	stream.indirect.gather [hbm4b:s0+s17], $0x10, s25, s17, $0xb8;
	[tilespmem:$0xF400] =	vst v63  }
0x25: {  	_ =	swait.ge [sflag:s19], $0x800  }
0x26: {  	[sflag:s19] =	ssyncset.done $0x0  }
0x27: {  	s25 =	sadd.s32 $0x4E80, s25;
	[sflag:s19] =	ssyncadd.s32 $0xFFFFF800  }
0x28: {  	[spmem:s3] =	stream.indirect.scatter.add.f32 [tilespmem:s18], [sflag:$0x2], $0x10, s25, s17, $0xb8;
	[tilespmem:$0xF400] =	vst v63  }
0x29: {  	_ =	swait.ge [sflag:s14], $0x800  }
0x2a: {  	[sflag:s14] =	ssyncset.done $0x0  }
0x2b: {  	s25 =	sshra.s32 @!p0 s24, $0x2;
	[sflag:s14] =	ssyncadd.s32 $0xFFFFF800  }
0x2c: {  	v1 =	vld @!p0 [tilespmem:s25+$0x4E80];
	_ =	sdelay $0x6  }
0x2d: {  	v2 =	vimm.f32 @!p0 $1.000000000e+00;
	s26 =	simm.s32 @!p0 $0xA500  }
0x2e: {  	[tilespmem:v1+s26+$0x0] =	vst.idx.add.f32.msk @!p0 $0xffff, v2  }
0x2f: {  	v1 =	vld @!p0 [tilespmem:s25+$0x4E90];
	_ =	sdelay $0x7  }
0x30: {  	[tilespmem:v1+s26+$0x0] =	vst.idx.add.f32.msk @!p0 $0xffff, v2  }
0x31: {  	v1 =	vld @!p0 [tilespmem:s25+$0x4EA0];
	_ =	sdelay $0x7  }
0x32: {  	[tilespmem:v1+s26+$0x0] =	vst.idx.add.f32.msk @!p0 $0xffff, v2  }
0x33: {  	v1 =	vld @!p0 [tilespmem:s25+$0x4EB0];
	_ =	sdelay $0x7  }
0x34: {  	[tilespmem:v1+s26+$0x0] =	vst.idx.add.f32.msk @!p0 $0xffff, v2  }
0x35: {  	v1 =	vld @!p0 [tilespmem:s25+$0x4EC0];
	_ =	sdelay $0x7  }
0x36: {  	[tilespmem:v1+s26+$0x0] =	vst.idx.add.f32.msk @!p0 $0xffff, v2  }
0x37: {  	v1 =	vld @!p0 [tilespmem:s25+$0x4ED0];
	_ =	sdelay $0x7  }
0x38: {  	[tilespmem:v1+s26+$0x0] =	vst.idx.add.f32.msk @!p0 $0xffff, v2  }
0x39: {  	v1 =	vld @!p0 [tilespmem:s25+$0x4EE0];
	_ =	sdelay $0x7  }
0x3a: {  	[tilespmem:v1+s26+$0x0] =	vst.idx.add.f32.msk @!p0 $0xffff, v2  }
0x3b: {  	v1 =	vld @!p0 [tilespmem:s25+$0x4EF0];
	_ =	sdelay $0x1  }
0x3c: {  	s24 =	sadd.s32 $0x200, s24  }
0x3d: {  	p1 =	sne.s32 s24, $0x13A00  }
.Ltmp1:
0x3e: {  	_ = 	snop;
	(pc) =	sbr.rel @p1 .LBB2_5-.Ltmp1, $2  }
0x3f: {  	_ =	sdelay $0x2  }
0x40: {  	[tilespmem:v1+s26+$0x0] =	vst.idx.add.f32.msk @!p0 $0xffff, v2  }
0x41: {  	s24 =	smul.u32 $0x4F00, s23  }
0x42: {  	s23 =	sadd.s32 $0x1, s23  }
0x43: {  	p0 =	sne.s32 s23, $0x8;
	s24 =	sadd.s32 s24, s9  }
.Ltmp2:
0x44: {  	[bflag:$0x0] =	sbarrier.arrive $0xFFFF;
	s24 =	sadd.s32 s10, s24;
	(pc) =	sbr.rel @p0 .LBB2_4-.Ltmp2, $4  }
0x45: {  	[hbm:s24], [sflag:s15] =	dma.local [spmem:s16], $0x4F0  }
0x46: {  	_ =	swait.ge [sflag:s14], $0x4F0  }
0x47: {  	[sflag:s14] =	ssyncset.done $0x0  }
0x48: {  	[sflag:s14] =	ssyncadd.s32 $0xFFFFFB10  }
0x49: {  	s21 =	sadd.s32 $0x1, s21  }
0x4a: {  	p0 =	sne.s32 s21, s12  }
.Ltmp3:
0x4b: {  	_ = 	snop;
	(pc) =	sbr.rel @p0 .LBB2_1-.Ltmp3, $4  }
0x4c: {  	[hbm4b:s11+s4] =	stream.linear.scatter [tilespmem:s20], [sflag:$0x2], $0x2780, $0x38;
	[tilespmem:$0xF400] =	vst v63  }
0x4d: {  	_ =	swait.ge [sflag:s14], $0x2780  }
0x4e: {  	[sflag:s14] =	ssyncset.done $0x0  }
0x4f: {  	[sflag:s14] =	ssyncadd.s32 $0xFFFFD880  }
0x50: {  	_ =	sfence.sel $0x180000  }
0x51: {  	[bflag:$0x0] =	sbarrier.arrive $0xFFFF  }
0x52: {  	p0 =	sne.s32 s2, $0x0;
	_ =	strace $0x9000004A  }
0x53: {  	s0 =	sadd.s32 @!p0 $0x100000, s1;
	[bflag:$0x2] =	sbarrier.arrive $0xFFFF  }
0x54: {  	[sflag:s0] =	ssyncadd.tile.s32 @!p0 $0x1;
	_ =	shalt  }
.Lfunc_end2:
_tile_overlayer_lowered:
.L_overlay_start_2:
0x55: {  	(tag) =	ssettag $0x2  }
0x56: {  	s0 =	rddreg [dreg:$0x0];
	s2 =	stileid.u32  }
0x57: {  	s1 =	rddreg [dreg:$0x1];
	p0 =	sne.s32 s2, $0x0  }
0x58: {  	s3 =	rddreg [dreg:$0x2];
	[bflag:$0x3] =	sbarrier.arrive $0xFFFF;
	s2 =	simm.s32 @!p0 $0x1C02  }
0x59: {  	[timem:s3], [sflag:s2] =	dma.local @!p0 [hbm:s0], s1  }
0x5a: {  	s0 =	simm.s32 @!p0 $0x2  }
0x5b: {  	_ =	swait.ge @!p0 [sflag:s0], s1  }
0x5c: {  	s1 =	ssub.s32 @!p0 $0x0, s1;
	[sflag:s0] =	ssyncset.done @!p0 $0x0  }
0x5d: {  	[sflag:s0] =	ssyncadd.s32 @!p0 s1  }
0x5e: {  	[bflag:$0x3] =	sbarrier.arrive $0xFFFF  }
0x5f: {  	_ =	shalt  }

// kernel: kernel.8.cloned.1.call-start
scs
__scs_entry_jumppad:
0x0: {  	(pc) =	sbr.rel $0x88, $3  }
0x1: {  	(tag) =	ssettag $0x0;
	lr =	simm.s32 $0x1  }
0x2: {  	[smem:$0x3F91] =	sst lr;
	_ =	strace $0xD0000000  }
0x3: {  	_ = 	snop  }
0x4: {  	_ = 	snop  }
0x5: {  	_ = 	snop  }
0x6: {  	_ = 	snop  }
0x7: {  	_ = 	snop  }
__scs_overlays_trampoline_lowered:
0x8: {  	[smem:$0x3FA0] =	sst s0  }
0x9: {  	[smem:$0x3FA1] =	sst s1  }
0xa: {  	[smem:$0x3FA2] =	sst s2  }
0xb: {  	[smem:$0x3FA3] =	sst s3  }
0xc: {  	[smem:$0x3FA4] =	sst s4  }
0xd: {  	[smem:$0x3FA5] =	sst s5  }
0xe: {  	[smem:$0x3FA6] =	sst s6  }
0xf: {  	[smem:$0x3FA7] =	sst s7  }
0x10: {  	[smem:$0x3FA8] =	sst s8  }
0x11: {  	[smem:$0x3FA9] =	sst s9;
	s0 =	simm.s32 @!p0 $0x0  }
0x12: {  	s1 =	sld [smem:$0x3F8F];
	s0 =	simm.s32 @p0 $0x1  }
0x13: {  	[smem:$0x3FAA] =	sst s0;
	s0 =	simm.s32 @!p1 $0x0  }
0x14: {  	s2 =	sld [smem:$0x3F8E];
	s0 =	simm.s32 @p1 $0x1  }
0x15: {  	[smem:$0x3FAB] =	sst s0;
	s0 =	simm.s32 @!p2 $0x0  }
0x16: {  	s3 =	sld [smem:$0x3FDB];
	s0 =	simm.s32 @p2 $0x1  }
0x17: {  	s4 =	simm.s32 $0x1BF5;
	[smem:$0x3FAD] =	sst s0  }
0x18: {  	s0 =	sld [smem:$0x3F90];
	_ =	swait.ge [sflag:s4], $0x0  }
0x19: {  	s7 =	sld [smem:$0x3F91]  }
0x1a: {  	s8 =	sadd.s32 $0xFFFFE003, lr  }
0x1b: {  	s9 =	sadd.s32 $0xFFFFFEF7, lr;
	s5 =	simm.s32 $0xFFFFFFFF;
	p2 =	slt.u32 s8, $0xFFFFF086  }
0x1c: {  	p1 =	slt.u32 s9, $0xF7A;
	s5 =	simm.s32 @!p2 $0x0  }
0x1d: {  	s5 =	simm.s32 @p1 $0x1;
	p0 =	seq.s32 s7, s2  }
0x1e: {  	s7 =	smul.u32 @!p0 $0xF7A, s2;
	p2 =	seq.s32 @!p0 s5, $0x0  }
0x1f: {  	s9 =	smul.u32 $0xF7A, s1;
	s8 =	simm.s32 @!p0 $0x1BF5;
	p2 =	por !p2, p0  }
0x20: {  	[sflag:s8] =	ssyncset.s32 @!p0 $0xFFFFF086;
	s6 =	sadd.s32 @!p0 s3, s7;
	s7 =	simm.s32 @!p0 $0x108  }
0x21: {  	s3 =	sadd.s32 s3, s9;
	s6 =	sadd.s32 @!p0 $0x88, s6;
	s7 =	simm.s32 @p2 $0x1082  }
0x22: {  	[simem:s7], [sflag:s8] =	dma.local @!p0 [hbm:s6], $0xF7A  }
0x23: {  	s9 =	sor.u32 $0xD0000000, s2;
	s6 =	simm.s32 $0x108;
	_ =	swait.ge @!p0 [sflag:s8], $0x0  }
0x24: {  	s3 =	sadd.s32 $0x88, s3;
	s6 =	simm.s32 @!p1 $0x1082;
	[sflag:s4] =	ssyncset.s32 $0xFFFFF086  }
0x25: {  	[simem:s6], [sflag:s4] =	dma.local [hbm:s3], $0xF7A  }
0x26: {  	[smem:$0x3F91] =	sst s1;
	(tag) =	ssettag s2;
	_ =	strace s9  }
0x27: {  	s1 =	sld [smem:$0x3FA1]  }
0x28: {  	s2 =	sld [smem:$0x3FA2]  }
0x29: {  	s4 =	sld [smem:$0x3FA4]  }
0x2a: {  	p0 =	seq.s32 s5, $0x0;
	s5 =	sld [smem:$0x3FA5]  }
0x2b: {  	s6 =	sld [smem:$0x3FA6]  }
0x2c: {  	s7 =	sld [smem:$0x3FA7]  }
0x2d: {  	s3 =	simm.s32 $0x108;
	s8 =	sld [smem:$0x3FA8]  }
0x2e: {  	s3 =	simm.s32 @!p0 $0x1082;
	s9 =	sld [smem:$0x3FA9]  }
0x2f: {  	lr =	sadd.s32 s0, s3;
	s0 =	sld [smem:$0x3FA0]  }
0x30: {  	s3 =	sld [smem:$0x3FA3]  }
0x31: {  	[smem:$0x3FAC] =	sst s10  }
0x32: {  	s10 =	sld [smem:$0x3FAA];
	_ =	sdelay $0x3  }
0x33: {  	p0 =	seq.s32 s10, $0x1;
	s10 =	sld [smem:$0x3FAC];
	_ =	sdelay $0x3  }
0x34: {  	[smem:$0x3FAC] =	sst s10  }
0x35: {  	s10 =	sld [smem:$0x3FAB];
	_ =	sdelay $0x3  }
0x36: {  	p1 =	seq.s32 s10, $0x1;
	s10 =	sld [smem:$0x3FAC];
	_ =	sdelay $0x3  }
0x37: {  	[smem:$0x3FAC] =	sst s10  }
0x38: {  	s10 =	sld [smem:$0x3FAD]  }
0x39: {  	_ = 	snop;
	(pc) =	sbr.ind lr, $3  }
0x3a: {  	_ = 	snop  }
0x3b: {  	_ = 	snop  }
0x3c: {  	p2 =	seq.s32 s10, $0x1;
	s10 =	sld [smem:$0x3FAC]  }
0x3d: {  	_ =	shalt  }
0x3e: {  	_ =	shalt  }
0x3f: {  	_ =	shalt  }
0x40: {  	_ =	shalt  }
0x41: {  	_ =	shalt  }
0x42: {  	_ =	shalt  }
0x43: {  	_ =	shalt  }
0x44: {  	_ =	shalt  }
0x45: {  	_ =	shalt  }
0x46: {  	_ =	shalt  }
0x47: {  	_ =	shalt  }
0x48: {  	_ =	shalt  }
0x49: {  	_ =	shalt  }
0x4a: {  	_ =	shalt  }
0x4b: {  	_ =	shalt  }
0x4c: {  	_ =	shalt  }
0x4d: {  	_ =	shalt  }
0x4e: {  	_ =	shalt  }
0x4f: {  	_ =	shalt  }
0x50: {  	_ =	shalt  }
0x51: {  	_ =	shalt  }
0x52: {  	_ =	shalt  }
0x53: {  	_ =	shalt  }
0x54: {  	_ =	shalt  }
0x55: {  	_ =	shalt  }
0x56: {  	_ =	shalt  }
0x57: {  	_ =	shalt  }
0x58: {  	_ =	shalt  }
0x59: {  	_ =	shalt  }
0x5a: {  	_ =	shalt  }
0x5b: {  	_ =	shalt  }
0x5c: {  	_ =	shalt  }
0x5d: {  	_ =	shalt  }
0x5e: {  	_ =	shalt  }
0x5f: {  	_ =	shalt  }
0x60: {  	_ =	shalt  }
0x61: {  	_ =	shalt  }
0x62: {  	_ =	shalt  }
0x63: {  	_ =	shalt  }
0x64: {  	_ =	shalt  }
0x65: {  	_ =	shalt  }
0x66: {  	_ =	shalt  }
0x67: {  	_ =	shalt  }
0x68: {  	_ =	shalt  }
0x69: {  	_ =	shalt  }
0x6a: {  	_ =	shalt  }
0x6b: {  	_ =	shalt  }
0x6c: {  	_ =	shalt  }
0x6d: {  	_ =	shalt  }
0x6e: {  	_ =	shalt  }
0x6f: {  	_ =	shalt  }
0x70: {  	_ =	shalt  }
0x71: {  	_ =	shalt  }
0x72: {  	_ =	shalt  }
0x73: {  	_ =	shalt  }
0x74: {  	_ =	shalt  }
0x75: {  	_ =	shalt  }
0x76: {  	_ =	shalt  }
0x77: {  	_ =	shalt  }
0x78: {  	_ =	shalt  }
0x79: {  	_ =	shalt  }
0x7a: {  	_ =	shalt  }
0x7b: {  	_ =	shalt  }
0x7c: {  	_ =	shalt  }
0x7d: {  	_ =	shalt  }
0x7e: {  	_ =	shalt  }
0x7f: {  	_ =	shalt  }
0x80: {  	_ =	shalt  }
0x81: {  	_ =	shalt  }
0x82: {  	_ =	shalt  }
0x83: {  	_ =	shalt  }
0x84: {  	_ =	shalt  }
0x85: {  	_ =	shalt  }
0x86: {  	_ =	shalt  }
0x87: {  	_ =	shalt  }
.Lfunc_end0:
.L_simem_size_0:
called_computation_lowered:
.L_overlay_start_0:
0x88: {  	s2 =	sld [smem:$0x3FD9]  }
0x89: {  	s3 =	sld [smem:$0x3FFE];
	_ =	sdelay $0x1  }
0x8a: {  	s1 =	srdreg.scid  }
0x8b: {  	s0 =	sand.u32 $0x1, s1  }
0x8c: {  	s17 =	sshll.u32 s0, $0xA;
	s2 =	sadd.s32 s3, s2  }
0x8d: {  	s2 =	sadd.s32 s2, s17  }
0x8e: {  	[smem:$0x3FB8] =	sst s2  }
0x8f: {  	_ = 	snop  }
0x90: {  	s2 =	sld [smem:$0x3FD0];
	(tm) =	ssettm $0x1  }
0x91: {  	s18 =	sld [smem:$0x3FFB];
	_ =	sdelay $0x3  }
0x92: {  	_ =	strace s18  }
0x93: {  	s3 =	sld [smem:$0x3FFC];
	_ =	sdelay $0x3  }
0x94: {  	_ =	strace s3  }
0x95: {  	s3 =	sld [smem:$0x3FFD];
	_ =	sdelay $0x3  }
0x96: {  	_ =	strace s3  }
0x97: {  	_ =	strace $0x8FFFFFFF  }
0x98: {  	s19 =	sld [smem:$0x3FDB];
	_ =	sdelay $0x1  }
0x99: {  	s4 =	simm.s32 $_scs_section_size  }
0x9a: {  	s5 =	simm.s32 $_size__tile_overlayer_lowered;
	s6 =	simm.s32 $_tile_overlayer_lowered  }
0x9b: {  	s22 =	simm.s32 $0x1BFF;
	s21 =	sshll.u32 s6, $0x1;
	s3 =	sadd.s32 s4, s19  }
0x9c: {  	s7 =	simm.s32 $0x0;
	s20 =	sshll.u32 s5, $0x1;
	s5 =	sadd.s32 s21, s3  }
0x9d: {  	[timem:s7], [sflag:s22] =	dma.local [hbm:s5], s20  }
0x9e: {  	_ =	swait.ge [sflag:s22], s20  }
0x9f: {  	s4 =	ssub.s32 $0x0, s20;
	[sflag:s22] =	ssyncset.done $0x0  }
0xa0: {  	[sflag:s22] =	ssyncadd.s32 s4;
	_ =	sdelay $0x1  }
0xa1: {  	s23 =	simm.s32 $0x1B8B  }
0xa2: {  	_ =	swait.ge [sflag:s23], $0x1  }
0xa3: {  	[sflag:s23] =	ssyncset.done $0x0  }
0xa4: {  	s25 =	simm.s32 $0x1B8E;
	s24 =	sld [smem:$0x3FFE];
	[sflag:s23] =	ssyncadd.s32 $0xFFFFFFFF  }
0xa5: {  	s26 =	simm.s32 $execute0_lowered;
	[smem:$0x3FD2] =	sst s25  }
0xa6: {  	s5 =	sshll.u32 s26, $0x1;
	_ =	strace $0x80000046;
	[dreg:$0x1] =	wrdreg $0xFFFFFFFF  }
0xa7: {  	s28 =	simm.s32 $_size_execute0_lowered;
	s3 =	sadd.s32 s3, s5;
	[dreg:$0x0] =	wrdreg $0x0  }
0xa8: {  	s5 =	sshll.u32 s28, $0x1;
	[dreg:$0x2] =	wrdreg s3  }
0xa9: {  	[dreg:$0x3] =	wrdreg s5  }
0xaa: {  	[dreg:$0x4] =	wrdreg $0xC0  }
0xab: {  	_ =	task [dreg:s7], $0x5FFFF  }
0xac: {  	[dreg:$0x1] =	wrdreg $0xFFFFFFFF  }
0xad: {  	[dreg:$0x0] =	wrdreg $0x60  }
0xae: {  	[dreg:$0x2] =	wrdreg s2  }
0xaf: {  	[dreg:$0x3] =	wrdreg s24  }
0xb0: {  	[dreg:$0x4] =	wrdreg $0xCC800  }
0xb1: {  	[dreg:$0x5] =	wrdreg $0x9  }
0xb2: {  	_ =	task.clear_ibuf [dreg:s7], $0x6FFFF;
	_ =	strace $0x90000046  }
0xb3: {  	s29 =	simm.s32 $0x9;
	_ =	strace $0x80000048  }
0xb4: {  	_ =	swait.ge [sflag:s29], $0x1  }
0xb5: {  	[sflag:s29] =	ssyncadd.s32 $0xFFFFFFFF  }
0xb6: {  	_ =	strace $0x90000048  }
0xb7: {  	_ =	sfence  }
0xb8: {  	s30 =	sld [smem:$0x0];
	_ =	sdelay $0x2  }
0xb9: {  	s31 =	sshll.u32 s1, $0xD;
	s1 =	sshrl.u32 s1, $0x2  }
0xba: {  	s3 =	sand.u32 $0x4000, s31;
	s1 =	sadd.s32 s1, s30  }
0xbb: {  	s0 =	sor.u32 s3, s0;
	s1 =	sshll.u32 s1, $0x11  }
0xbc: {  	s0 =	sor.u32 s1, s0  }
0xbd: {  	s0 =	sadd.s32 $0x8F2B, s0  }
0xbe: {  	[sflag:s0] =	ssyncadd.remote.s32 $0x1  }
0xbf: {  	_ =	sfence.sel $0xFFFF  }
0xc0: {  	[dreg:$0x0] =	wrdreg $0xFFFFFFFF;
	(pc) =	sbr.abs _section_cstart, $3  }
0xc1: {  	[dreg:$0x1] =	wrdreg $0xFFFFFFFF  }
0xc2: {  	_ =	task.clear_ibuf [dreg:s7], $0x2FFFF;
	_ =	strace $0x9FFFFFFF  }
0xc3: {  	(tm) =	ssettm $0x7FFFFFFF  }
tec
execute0_lowered:
.L_overlay_start_1:
0x0: {  	(tag) =	ssettag $0x1  }
0x1: {  	s0 =	rddreg [dreg:$0x0]  }
0x2: {  	s8 =	rddreg [dreg:$0x1]  }
0x3: {  	s1 =	srdreg.scid;
	s3 =	rddreg [dreg:$0x2]  }
0x4: {  	s2 =	stileid.u32;
	s4 =	simm.s32 $0x0;
	s17 =	simm.s32 $0x80  }
0x5: {  	s18 =	simm.s32 $0x9D00;
	s19 =	simm.s32 $0x1;
	s20 =	simm.s32 $0xA500  }
0x6: {  	s21 =	simm.s32 $0x0;
	s9 =	sand.u32 $0x1, s1;
	s1 =	rddreg [dreg:$0x3]  }
0x7: {  	[smem:$0x7FF] =	sst s4;
	s6 =	sadd.s32 $0x3A00, s8;
	s7 =	sadd.s32 $0xB4400, s8  }
0x8: {  	s14 =	smul.u32 $0x2780, s2;
	s31 =	sshll.u32 s2, $0x6;
	s5 =	sshll.u32 s9, $0x4  }
0x9: {  	s12 =	smul.u32 $0x27800, s9;
	s9 =	ssub.s32 $0x2, s9;
	s10 =	sor.u32 s2, s5  }
0xa: {  	_ =	strace $0x80000047;
	s13 =	sshrl.u32 s9, $0x1;
	s5 =	smul.u32 $0x9D0, s10  }
0xb: {  	s16 =	sadd.s32 s14, s3;
	s10 =	smul.u32 $0x4F0, s10;
	s12 =	sadd.s32 s12, s8  }
0xc: {  	s13 =	ssub.s32 s9, s13;
	s16 =	sshrl.u32 s16, $0x3;
	s9 =	sadd.s32 $0xB4A00, s12  }
0xd: {  	s12 =	smax.u32 s13, $0x1;
	s13 =	simm.s32 $0x4E80;
	s11 =	sadd.s32 s5, s8  }
0xe: {  	s15 =	sadd.s32 s10, s8;
	s10 =	sshrl.u32 s14, $0x3;
	s14 =	simm.s32 $0x2  }
0xf: {  	v0 =	vimm.f32 $0.0e+00;
	s8 =	sadd.s32 $0xA0A00, s11;
	s11 =	sadd.s32 $0x103A00, s15;
	s15 =	sor.u32 $0x1C02, s31  }
.LBB2_1:
0x10: {  	[tilespmem:s13], [sflag:$0x2] =	stream.linear.gather [hbm4b:s8+s4], $0x4E80, $0x38;
	[tilespmem:$0xF400] =	vst v63  }
0x11: {  	_ =	swait.ge [sflag:s14], $0x4E80  }
0x12: {  	[sflag:s14] =	ssyncset.done $0x0  }
0x13: {  	s22 =	simm.s32 $0x40;
	s23 =	simm.s32 $0x0;
	[sflag:s14] =	ssyncadd.s32 $0xFFFFB180  }
.LBB2_2:
0x14: {  	p0 =	seq.s32 s22, $0x9DC0;
	[tilespmem:s23+$0xA500] =	vst v0;
	s23 =	smov.u32 s22;
	s22 =	sadd.s32 $0x40, s22  }
.Ltmp0:
0x15: {  	(pc) =	sbr.rel @!p0 .LBB2_2-.Ltmp0, $2  }
0x16: {  	_ =	sdelay $0x2  }
0x17: {  	s23 =	sshra.s32 s23, $0x2  }
0x18: {  	[tilespmem:s23+$0xA500] =	vst v0;
	s22 =	simm.s32 $0x0;
	s23 =	simm.s32 $0x0  }
.LBB2_4:
0x19: {  	[spmem:s16], [sflag:s15] =	dma.local [hbm:s7], $0x4F0  }
0x1a: {  	s24 =	smul.u32 $0x13A00, s23  }
0x1b: {  	_ =	swait.ge [sflag:s14], $0x4F0  }
0x1c: {  	[sflag:s14] =	ssyncset.done $0x0;
	s24 =	sadd.s32 s6, s24  }
0x1d: {  	[sflag:s14] =	ssyncadd.s32 $0xFFFFFB10;
	s24 =	sadd.s32 s5, s24  }
0x1e: {  	[tilespmem:s22], [sflag:$0x2] =	stream.linear.gather [hbm4b:s24+s22], $0x4E80, $0x38;
	[tilespmem:$0xF400] =	vst v63  }
0x1f: {  	_ =	swait.ge [sflag:s14], $0x4E80  }
0x20: {  	[sflag:s14] =	ssyncset.done $0x0  }
0x21: {  	[sflag:s14] =	ssyncadd.s32 $0xFFFFB180  }
0x22: {  	p0 =	sne.s32 s23, $0x0;
	s24 =	simm.s32 $0x0;
	[bflag:$0x0] =	sbarrier.arrive $0xFFFF  }
.LBB2_5:
0x23: {  	s25 =	sshra.s32 s24, $0x2  }
0x24: {  	[tilespmem:s18], [sflag:$0x1] =	stream.indirect.gather [hbm4b:s0+s17], $0x10, s25, s17, $0xb8;
	[tilespmem:$0xF400] =	vst v63  }
0x25: {  	_ =	swait.ge [sflag:s19], $0x800  }
0x26: {  	[sflag:s19] =	ssyncset.done $0x0  }
0x27: {  	s25 =	sadd.s32 $0x4E80, s25;
	[sflag:s19] =	ssyncadd.s32 $0xFFFFF800  }
0x28: {  	[spmem:s3] =	stream.indirect.scatter.add.f32 [tilespmem:s18], [sflag:$0x2], $0x10, s25, s17, $0xb8;
	[tilespmem:$0xF400] =	vst v63  }
0x29: {  	_ =	swait.ge [sflag:s14], $0x800  }
0x2a: {  	[sflag:s14] =	ssyncset.done $0x0  }
0x2b: {  	s25 =	sshra.s32 @!p0 s24, $0x2;
	[sflag:s14] =	ssyncadd.s32 $0xFFFFF800  }
0x2c: {  	v1 =	vld @!p0 [tilespmem:s25+$0x4E80];
	_ =	sdelay $0x6  }
0x2d: {  	v2 =	vimm.f32 @!p0 $1.000000000e+00;
	s26 =	simm.s32 @!p0 $0xA500  }
0x2e: {  	[tilespmem:v1+s26+$0x0] =	vst.idx.add.f32.msk @!p0 $0xffff, v2  }
0x2f: {  	v1 =	vld @!p0 [tilespmem:s25+$0x4E90];
	_ =	sdelay $0x7  }
0x30: {  	[tilespmem:v1+s26+$0x0] =	vst.idx.add.f32.msk @!p0 $0xffff, v2  }
0x31: {  	v1 =	vld @!p0 [tilespmem:s25+$0x4EA0];
	_ =	sdelay $0x7  }
0x32: {  	[tilespmem:v1+s26+$0x0] =	vst.idx.add.f32.msk @!p0 $0xffff, v2  }
0x33: {  	v1 =	vld @!p0 [tilespmem:s25+$0x4EB0];
	_ =	sdelay $0x7  }
0x34: {  	[tilespmem:v1+s26+$0x0] =	vst.idx.add.f32.msk @!p0 $0xffff, v2  }
0x35: {  	v1 =	vld @!p0 [tilespmem:s25+$0x4EC0];
	_ =	sdelay $0x7  }
0x36: {  	[tilespmem:v1+s26+$0x0] =	vst.idx.add.f32.msk @!p0 $0xffff, v2  }
0x37: {  	v1 =	vld @!p0 [tilespmem:s25+$0x4ED0];
	_ =	sdelay $0x7  }
0x38: {  	[tilespmem:v1+s26+$0x0] =	vst.idx.add.f32.msk @!p0 $0xffff, v2  }
0x39: {  	v1 =	vld @!p0 [tilespmem:s25+$0x4EE0];
	_ =	sdelay $0x7  }
0x3a: {  	[tilespmem:v1+s26+$0x0] =	vst.idx.add.f32.msk @!p0 $0xffff, v2  }
0x3b: {  	v1 =	vld @!p0 [tilespmem:s25+$0x4EF0];
	_ =	sdelay $0x1  }
0x3c: {  	s24 =	sadd.s32 $0x200, s24  }
0x3d: {  	p1 =	sne.s32 s24, $0x13A00  }
.Ltmp1:
0x3e: {  	_ = 	snop;
	(pc) =	sbr.rel @p1 .LBB2_5-.Ltmp1, $2  }
0x3f: {  	_ =	sdelay $0x2  }
0x40: {  	[tilespmem:v1+s26+$0x0] =	vst.idx.add.f32.msk @!p0 $0xffff, v2  }
0x41: {  	s24 =	smul.u32 $0x4F00, s23  }
0x42: {  	s23 =	sadd.s32 $0x1, s23  }
0x43: {  	p0 =	sne.s32 s23, $0x8;
	s24 =	sadd.s32 s24, s9  }
.Ltmp2:
0x44: {  	[bflag:$0x0] =	sbarrier.arrive $0xFFFF;
	s24 =	sadd.s32 s10, s24;
	(pc) =	sbr.rel @p0 .LBB2_4-.Ltmp2, $4  }
0x45: {  	[hbm:s24], [sflag:s15] =	dma.local [spmem:s16], $0x4F0  }
0x46: {  	_ =	swait.ge [sflag:s14], $0x4F0  }
0x47: {  	[sflag:s14] =	ssyncset.done $0x0  }
0x48: {  	[sflag:s14] =	ssyncadd.s32 $0xFFFFFB10  }
0x49: {  	s21 =	sadd.s32 $0x1, s21  }
0x4a: {  	p0 =	sne.s32 s21, s12  }
.Ltmp3:
0x4b: {  	_ = 	snop;
	(pc) =	sbr.rel @p0 .LBB2_1-.Ltmp3, $4  }
0x4c: {  	[hbm4b:s11+s4] =	stream.linear.scatter [tilespmem:s20], [sflag:$0x2], $0x2780, $0x38;
	[tilespmem:$0xF400] =	vst v63  }
0x4d: {  	_ =	swait.ge [sflag:s14], $0x2780  }
0x4e: {  	[sflag:s14] =	ssyncset.done $0x0  }
0x4f: {  	[sflag:s14] =	ssyncadd.s32 $0xFFFFD880  }
0x50: {  	_ =	sfence.sel $0x180000  }
0x51: {  	[bflag:$0x0] =	sbarrier.arrive $0xFFFF  }
0x52: {  	p0 =	sne.s32 s2, $0x0;
	_ =	strace $0x90000047  }
0x53: {  	s0 =	sadd.s32 @!p0 $0x100000, s1;
	[bflag:$0x2] =	sbarrier.arrive $0xFFFF  }
0x54: {  	[sflag:s0] =	ssyncadd.tile.s32 @!p0 $0x1;
	_ =	shalt  }
.Lfunc_end2:
_tile_overlayer_lowered:
.L_overlay_start_2:
0x55: {  	(tag) =	ssettag $0x2  }
0x56: {  	s0 =	rddreg [dreg:$0x0];
	s2 =	stileid.u32  }
0x57: {  	s1 =	rddreg [dreg:$0x1];
	p0 =	sne.s32 s2, $0x0  }
0x58: {  	s3 =	rddreg [dreg:$0x2];
	[bflag:$0x3] =	sbarrier.arrive $0xFFFF;
	s2 =	simm.s32 @!p0 $0x1C02  }
0x59: {  	[timem:s3], [sflag:s2] =	dma.local @!p0 [hbm:s0], s1  }
0x5a: {  	s0 =	simm.s32 @!p0 $0x2  }
0x5b: {  	_ =	swait.ge @!p0 [sflag:s0], s1  }
0x5c: {  	s1 =	ssub.s32 @!p0 $0x0, s1;
	[sflag:s0] =	ssyncset.done @!p0 $0x0  }
0x5d: {  	[sflag:s0] =	ssyncadd.s32 @!p0 s1  }
0x5e: {  	[bflag:$0x3] =	sbarrier.arrive $0xFFFF  }
0x5f: {  	_ =	shalt  }

</sc_bundles>
